<compile_context>
chip_gen: v7x
topology: tpu7x:2x2x1
jax: 0.10.2.dev20260603
libtpu: 0.0.44.dev20260713+nightly
codegen_flags: <defaults>
</compile_context>

<pallas_src>
import functools

import jax
import jax.numpy as jnp
from jax.experimental import pallas as pl
from jax.experimental.pallas import tpu as pltpu

_NSLOT = 4
_NCHUNK = 1


def _fc_body(nu_ref, uniq_ref, start_ref, count_ref, order_ref,
             x_ref, w_hbm, b_ref, o_ref, wbuf, xt_ref, sem,
             *, B, S, T, D_OUT, D_IN):
    nu = nu_ref[0]
    rows = D_OUT // _NCHUNK

    def start_fetch(i):
        slot = jax.lax.rem(i, _NSLOT)
        e = uniq_ref[i]
        for c in range(_NCHUNK):
            pltpu.make_async_copy(
                w_hbm.at[e, pl.ds(c * rows, rows), :],
                wbuf.at[slot, pl.ds(c * rows, rows), :],
                sem.at[slot, c],
            ).start()

    def wait_fetch(i):
        slot = jax.lax.rem(i, _NSLOT)
        e = uniq_ref[i]
        for c in range(_NCHUNK):
            pltpu.make_async_copy(
                w_hbm.at[e, pl.ds(c * rows, rows), :],
                wbuf.at[slot, pl.ds(c * rows, rows), :],
                sem.at[slot, c],
            ).wait()

    start_fetch(0)

    @pl.when(nu > 1)
    def _pro2():
        start_fetch(1)

    def expert_body(i, carry):
        slot = jax.lax.rem(i, _NSLOT)

        @pl.when(i + 2 < nu)
        def _prefetch():
            start_fetch(i + 2)

        wait_fetch(i)

        e = uniq_ref[i]
        cnt = count_ref[i]
        st = start_ref[i]
        n_tiles = (cnt + T - 1) // T

        def tile_body(t, c2):
            base = st + t * T
            lim = st + cnt
            for k in range(T):
                pos = jnp.minimum(base + k, B - 1)
                src = order_ref[pos]
                xt_ref[k * S:(k + 1) * S, :] = x_ref[src]
            y = jax.lax.dot_general(
                xt_ref[:, :], wbuf[slot],
                dimension_numbers=(((1,), (1,)), ((), ())),
                preferred_element_type=jnp.float32,
            ) + b_ref[pl.ds(e, 1), :]
            for k in range(T):
                p = base + k

                @pl.when(p < lim)
                def _store(k=k, p=p):
                    dst = order_ref[jnp.minimum(p, B - 1)]
                    o_ref[dst] = y[k * S:(k + 1) * S, :]
            return c2

        jax.lax.fori_loop(0, n_tiles, tile_body, 0)
        return carry

    jax.lax.fori_loop(0, nu, expert_body, 0)


def kernel(x, indices, W, b):
    B, S, D_IN = x.shape
    E, D_OUT, _ = W.shape
    T = 8

    idx = indices.astype(jnp.int32)
    order = jnp.argsort(idx).astype(jnp.int32)
    sidx = jnp.take(idx, order)
    is_start = jnp.concatenate(
        [jnp.ones((1,), jnp.bool_), sidx[1:] != sidx[:-1]])
    slot = jnp.cumsum(is_start.astype(jnp.int32)) - 1
    nu = slot[-1:] + 1
    uniq_e = jnp.zeros((E,), jnp.int32).at[slot].set(sidx)
    count = jnp.zeros((E,), jnp.int32).at[slot].add(1)
    start = jnp.full((E,), B, jnp.int32).at[slot].min(
        jnp.arange(B, dtype=jnp.int32))

    return pl.pallas_call(
        functools.partial(_fc_body, B=B, S=S, T=T, D_OUT=D_OUT, D_IN=D_IN),
        in_specs=[
            pl.BlockSpec(memory_space=pltpu.SMEM),
            pl.BlockSpec(memory_space=pltpu.SMEM),
            pl.BlockSpec(memory_space=pltpu.SMEM),
            pl.BlockSpec(memory_space=pltpu.SMEM),
            pl.BlockSpec(memory_space=pltpu.SMEM),
            pl.BlockSpec(memory_space=pltpu.VMEM),
            pl.BlockSpec(memory_space=pl.ANY),
            pl.BlockSpec(memory_space=pltpu.VMEM),
        ],
        out_specs=pl.BlockSpec(memory_space=pltpu.VMEM),
        scratch_shapes=[
            pltpu.VMEM((_NSLOT, D_OUT, D_IN), jnp.float32),
            pltpu.VMEM((T * S, D_IN), jnp.float32),
            pltpu.SemaphoreType.DMA((_NSLOT, _NCHUNK)),
        ],
        out_shape=jax.ShapeDtypeStruct((B, S, D_OUT), jnp.float32),
    )(nu, uniq_e, start, count, order, x, W, b)

# --- scband reference (transcript-rebuilt; emitter-appended) ---
"""Pipeline reference for scband-indexed-linear-fc-list-32667521254078 (READ-ONLY COPY).

The authoritative reference and input builder live on the scoring server;
editing this copy changes nothing except your own understanding.
"""

import jax, jax.numpy as jnp
import numpy as np

E = 64
B = 128
S = 8
D_IN = 1024
D_OUT = 1024


def setup_inputs(seed: int = 0) -> dict:
    key = jax.random.key(seed)
    k1, k2, k3, k4 = jax.random.split(key, 4)
    x = jax.random.normal(k1, (B, S, D_IN), dtype=jnp.float32)
    indices = jax.random.randint(k2, (B,), 0, E, dtype=jnp.int64)
    # nn.Linear default init: uniform(-1/sqrt(fan_in), 1/sqrt(fan_in)) for W and b
    bound = 1.0 / np.sqrt(D_IN)
    W = jax.random.uniform(k3, (E, D_OUT, D_IN), dtype=jnp.float32, minval=-bound, maxval=bound)
    b = jax.random.uniform(k4, (E, D_OUT), dtype=jnp.float32, minval=-bound, maxval=bound)
    return {"x": x, "indices": indices, "W": W, "b": b}


def reference(x, indices, W, b):
    # Per-sample expert selection: for each batch element i, apply linears[indices[i]]
    # torch Linear: y = x @ W.T + b, with W shape (out, in)
    Wg = jnp.take(W, indices, axis=0)  # [B, D_OUT, D_IN] gather (SparseCore-friendly)
    bg = jnp.take(b, indices, axis=0)  # [B, D_OUT]
    y = jnp.einsum('bsi,boi->bso', x, Wg) + bg[:, None, :]
    return y

if __name__ == "__main__":
    import jax
    _d = setup_inputs()
    print(jax.jit(kernel)(*tuple(_d.values())))

</pallas_src>

<mosaic_0001>
module attributes {stable_mosaic.version = 14 : i64} {
  func.func @_fc_body(%arg0: memref<1xi32, #tpu.memory_space<smem>>, %arg1: memref<64xi32, #tpu.memory_space<smem>>, %arg2: memref<64xi32, #tpu.memory_space<smem>>, %arg3: memref<64xi32, #tpu.memory_space<smem>>, %arg4: memref<128xi32, #tpu.memory_space<smem>>, %arg5: memref<128x8x1024xf32, #tpu.memory_space<vmem>>, %arg6: memref<64x1024x1024xf32, #tpu.memory_space<any>>, %arg7: memref<64x1024xf32, #tpu.memory_space<vmem>>, %arg8: memref<128x8x1024xf32, #tpu.memory_space<vmem>>, %arg9: memref<4x1024x1024xf32, #tpu.memory_space<vmem>>, %arg10: memref<64x1024xf32, #tpu.memory_space<vmem>>, %arg11: memref<4x1x!tpu.dma_semaphore, #tpu.memory_space<semaphore_mem>>) attributes {dimension_semantics = [], scalar_prefetch = 0 : i64, scratch_operands = 3 : i64, tpu.core_type = #tpu.core_type<tc>} {
    %get3A = arith.constant 0 : index
    %get3A_0 = memref.load %arg0[%get3A] : memref<1xi32, #tpu.memory_space<smem>>
    %rem3A = arith.constant 0 : i32
    %rem3A_1 = arith.constant 4 : i32
    %rem3A_2 = arith.remsi %rem3A, %rem3A_1 : i32
    %get3A_3 = arith.constant 0 : index
    %get3A_4 = memref.load %arg1[%get3A_3] : memref<64xi32, #tpu.memory_space<smem>>
    %dma_start3A = arith.constant 0 : i32
    %dma_start3A_5 = tpu.memref_slice %arg11[%rem3A_2, %dma_start3A] : memref<4x1x!tpu.dma_semaphore, #tpu.memory_space<semaphore_mem>> -> memref<1x1x!tpu.dma_semaphore, #tpu.memory_space<semaphore_mem>>
    %dma_start3A_6 = tpu.memref_squeeze %dma_start3A_5 : memref<1x1x!tpu.dma_semaphore, #tpu.memory_space<semaphore_mem>> -> memref<!tpu.dma_semaphore, #tpu.memory_space<semaphore_mem>>
    %dma_start3A_7 = arith.constant 0 : i32
    %dma_start3A_8 = arith.constant 0 : i32
    %dma_start3A_9 = tpu.memref_slice %arg9[%rem3A_2, %dma_start3A_7, %dma_start3A_8] : memref<4x1024x1024xf32, #tpu.memory_space<vmem>> -> memref<1x1024x1024xf32, #tpu.memory_space<vmem>>
    %dma_start3A_10 = tpu.memref_squeeze %dma_start3A_9 : memref<1x1024x1024xf32, #tpu.memory_space<vmem>> -> memref<1024x1024xf32, #tpu.memory_space<vmem>>
    %dma_start3A_11 = arith.constant 0 : i32
    %dma_start3A_12 = arith.constant 0 : i32
    %dma_start3A_13 = tpu.memref_slice %arg6[%get3A_4, %dma_start3A_11, %dma_start3A_12] : memref<64x1024x1024xf32, #tpu.memory_space<any>> -> memref<1x1024x1024xf32, #tpu.memory_space<any>>
    %dma_start3A_14 = tpu.memref_squeeze %dma_start3A_13 : memref<1x1024x1024xf32, #tpu.memory_space<any>> -> memref<1024x1024xf32, #tpu.memory_space<any>>
    tpu.enqueue_dma source(%dma_start3A_14 : memref<1024x1024xf32, #tpu.memory_space<any>>) target(%dma_start3A_10 : memref<1024x1024xf32, #tpu.memory_space<vmem>>) target_semaphore(%dma_start3A_6 : memref<!tpu.dma_semaphore, #tpu.memory_space<semaphore_mem>>)
    %gt3A = arith.constant 1 : i32
    %gt3A_15 = arith.cmpi sgt, %get3A_0, %gt3A : i32
    %convert_element_type3A = arith.extui %gt3A_15 : i1 to i32
    %cond3A = arith.constant 0 : i32
    %cond3A_16 = arith.cmpi ne, %convert_element_type3A, %cond3A : i32
    scf.if %cond3A_16 {
      %rem3A_26 = arith.constant 1 : i32
      %rem3A_27 = arith.constant 4 : i32
      %rem3A_28 = arith.remsi %rem3A_26, %rem3A_27 : i32
      %get3A_29 = arith.constant 1 : index
      %get3A_30 = memref.load %arg1[%get3A_29] : memref<64xi32, #tpu.memory_space<smem>>
      %dma_start3A_31 = arith.constant 0 : i32
      %dma_start3A_32 = tpu.memref_slice %arg11[%rem3A_28, %dma_start3A_31] : memref<4x1x!tpu.dma_semaphore, #tpu.memory_space<semaphore_mem>> -> memref<1x1x!tpu.dma_semaphore, #tpu.memory_space<semaphore_mem>>
      %dma_start3A_33 = tpu.memref_squeeze %dma_start3A_32 : memref<1x1x!tpu.dma_semaphore, #tpu.memory_space<semaphore_mem>> -> memref<!tpu.dma_semaphore, #tpu.memory_space<semaphore_mem>>
      %dma_start3A_34 = arith.constant 0 : i32
      %dma_start3A_35 = arith.constant 0 : i32
      %dma_start3A_36 = tpu.memref_slice %arg9[%rem3A_28, %dma_start3A_34, %dma_start3A_35] : memref<4x1024x1024xf32, #tpu.memory_space<vmem>> -> memref<1x1024x1024xf32, #tpu.memory_space<vmem>>
      %dma_start3A_37 = tpu.memref_squeeze %dma_start3A_36 : memref<1x1024x1024xf32, #tpu.memory_space<vmem>> -> memref<1024x1024xf32, #tpu.memory_space<vmem>>
      %dma_start3A_38 = arith.constant 0 : i32
      %dma_start3A_39 = arith.constant 0 : i32
      %dma_start3A_40 = tpu.memref_slice %arg6[%get3A_30, %dma_start3A_38, %dma_start3A_39] : memref<64x1024x1024xf32, #tpu.memory_space<any>> -> memref<1x1024x1024xf32, #tpu.memory_space<any>>
      %dma_start3A_41 = tpu.memref_squeeze %dma_start3A_40 : memref<1x1024x1024xf32, #tpu.memory_space<any>> -> memref<1024x1024xf32, #tpu.memory_space<any>>
      tpu.enqueue_dma source(%dma_start3A_41 : memref<1024x1024xf32, #tpu.memory_space<any>>) target(%dma_start3A_37 : memref<1024x1024xf32, #tpu.memory_space<vmem>>) target_semaphore(%dma_start3A_33 : memref<!tpu.dma_semaphore, #tpu.memory_space<semaphore_mem>>)
    } else {
    }
    %while3A = arith.constant 0 : i32
    %while3A_17 = arith.constant 0 : i32
    %while3A_18 = arith.subi %get3A_0, %while3A_17 : i32
    %while3A_19 = arith.addi %while3A_17, %while3A_18 : i32
    %while3A_20 = arith.constant 1 : i32
    %while3A_21 = arith.divsi %while3A_18, %while3A_20 : i32
    %while3A_22 = arith.muli %while3A_21, %while3A_20 : i32
    %while3A_23 = arith.addi %while3A_17, %while3A_22 : i32
    %while3A_24 = arith.constant 1 : i32
    scf.for %while3A_26 = %while3A_17 to %while3A_23 step %while3A_24  : i32 {
      %rem3A_27 = arith.constant 4 : i32
      %rem3A_28 = arith.remsi %while3A_26, %rem3A_27 : i32
      %add3A = arith.constant 2 : i32
      %add3A_29 = arith.addi %while3A_26, %add3A : i32
      %lt3A = arith.cmpi slt, %add3A_29, %get3A_0 : i32
      %convert_element_type3A_30 = arith.extui %lt3A : i1 to i32
      %cond3A_31 = arith.constant 0 : i32
      %cond3A_32 = arith.cmpi ne, %convert_element_type3A_30, %cond3A_31 : i32
      scf.if %cond3A_32 {
        %add3A_84 = arith.constant 2 : i32
        %add3A_85 = arith.addi %while3A_26, %add3A_84 : i32
        %rem3A_86 = arith.constant 4 : i32
        %rem3A_87 = arith.remsi %add3A_85, %rem3A_86 : i32
        %get3A_88 = arith.index_cast %add3A_85 : i32 to index
        %get3A_89 = memref.load %arg1[%get3A_88] : memref<64xi32, #tpu.memory_space<smem>>
        %dma_start3A_90 = arith.constant 0 : i32
        %dma_start3A_91 = tpu.memref_slice %arg11[%rem3A_87, %dma_start3A_90] : memref<4x1x!tpu.dma_semaphore, #tpu.memory_space<semaphore_mem>> -> memref<1x1x!tpu.dma_semaphore, #tpu.memory_space<semaphore_mem>>
        %dma_start3A_92 = tpu.memref_squeeze %dma_start3A_91 : memref<1x1x!tpu.dma_semaphore, #tpu.memory_space<semaphore_mem>> -> memref<!tpu.dma_semaphore, #tpu.memory_space<semaphore_mem>>
        %dma_start3A_93 = arith.constant 0 : i32
        %dma_start3A_94 = arith.constant 0 : i32
        %dma_start3A_95 = tpu.memref_slice %arg9[%rem3A_87, %dma_start3A_93, %dma_start3A_94] : memref<4x1024x1024xf32, #tpu.memory_space<vmem>> -> memref<1x1024x1024xf32, #tpu.memory_space<vmem>>
        %dma_start3A_96 = tpu.memref_squeeze %dma_start3A_95 : memref<1x1024x1024xf32, #tpu.memory_space<vmem>> -> memref<1024x1024xf32, #tpu.memory_space<vmem>>
        %dma_start3A_97 = arith.constant 0 : i32
        %dma_start3A_98 = arith.constant 0 : i32
        %dma_start3A_99 = tpu.memref_slice %arg6[%get3A_89, %dma_start3A_97, %dma_start3A_98] : memref<64x1024x1024xf32, #tpu.memory_space<any>> -> memref<1x1024x1024xf32, #tpu.memory_space<any>>
        %dma_start3A_100 = tpu.memref_squeeze %dma_start3A_99 : memref<1x1024x1024xf32, #tpu.memory_space<any>> -> memref<1024x1024xf32, #tpu.memory_space<any>>
        tpu.enqueue_dma source(%dma_start3A_100 : memref<1024x1024xf32, #tpu.memory_space<any>>) target(%dma_start3A_96 : memref<1024x1024xf32, #tpu.memory_space<vmem>>) target_semaphore(%dma_start3A_92 : memref<!tpu.dma_semaphore, #tpu.memory_space<semaphore_mem>>)
      } else {
      }
      %rem3A_33 = arith.constant 4 : i32
      %rem3A_34 = arith.remsi %while3A_26, %rem3A_33 : i32
      %get3A_35 = arith.index_cast %while3A_26 : i32 to index
      %get3A_36 = memref.load %arg1[%get3A_35] : memref<64xi32, #tpu.memory_space<smem>>
      %dma_wait3A = arith.constant 0 : i32
      %dma_wait3A_37 = tpu.memref_slice %arg11[%rem3A_34, %dma_wait3A] : memref<4x1x!tpu.dma_semaphore, #tpu.memory_space<semaphore_mem>> -> memref<1x1x!tpu.dma_semaphore, #tpu.memory_space<semaphore_mem>>
      %dma_wait3A_38 = tpu.memref_squeeze %dma_wait3A_37 : memref<1x1x!tpu.dma_semaphore, #tpu.memory_space<semaphore_mem>> -> memref<!tpu.dma_semaphore, #tpu.memory_space<semaphore_mem>>
      %dma_wait3A_39 = arith.constant 0 : i32
      %dma_wait3A_40 = arith.constant 0 : i32
      %dma_wait3A_41 = tpu.memref_slice %arg9[%rem3A_34, %dma_wait3A_39, %dma_wait3A_40] : memref<4x1024x1024xf32, #tpu.memory_space<vmem>> -> memref<1x1024x1024xf32, #tpu.memory_space<vmem>>
      %dma_wait3A_42 = tpu.memref_squeeze %dma_wait3A_41 : memref<1x1024x1024xf32, #tpu.memory_space<vmem>> -> memref<1024x1024xf32, #tpu.memory_space<vmem>>
      %dma_wait3A_43 = arith.constant 0 : i32
      %dma_wait3A_44 = arith.constant 0 : i32
      %dma_wait3A_45 = tpu.memref_slice %arg6[%get3A_36, %dma_wait3A_43, %dma_wait3A_44] : memref<64x1024x1024xf32, #tpu.memory_space<any>> -> memref<1x1024x1024xf32, #tpu.memory_space<any>>
      %dma_wait3A_46 = tpu.memref_squeeze %dma_wait3A_45 : memref<1x1024x1024xf32, #tpu.memory_space<any>> -> memref<1024x1024xf32, #tpu.memory_space<any>>
      tpu.wait_dma2 semaphore(%dma_wait3A_38 : memref<!tpu.dma_semaphore, #tpu.memory_space<semaphore_mem>>) src(%dma_wait3A_46 : memref<1024x1024xf32, #tpu.memory_space<any>>) dst(%dma_wait3A_42 : memref<1024x1024xf32, #tpu.memory_space<vmem>>)
      %get3A_47 = arith.index_cast %while3A_26 : i32 to index
      %get3A_48 = memref.load %arg1[%get3A_47] : memref<64xi32, #tpu.memory_space<smem>>
      %get3A_49 = arith.index_cast %while3A_26 : i32 to index
      %get3A_50 = memref.load %arg3[%get3A_49] : memref<64xi32, #tpu.memory_space<smem>>
      %get3A_51 = arith.index_cast %while3A_26 : i32 to index
      %get3A_52 = memref.load %arg2[%get3A_51] : memref<64xi32, #tpu.memory_space<smem>>
      %add3A_53 = arith.constant 8 : i32
      %add3A_54 = arith.addi %get3A_50, %add3A_53 : i32
      %sub3A = arith.constant 1 : i32
      %sub3A_55 = arith.subi %add3A_54, %sub3A : i32
      %jit3A = arith.constant 8 : i32
      %div3A = arith.divsi %sub3A_55, %jit3A : i32
      %sign3A = arith.constant 0 : i32
      %sign3A_56 = arith.cmpi sgt, %sub3A_55, %sign3A : i32
      %sign3A_57 = arith.extui %sign3A_56 : i1 to i32
      %sign3A_58 = arith.constant 0 : i32
      %sign3A_59 = arith.cmpi slt, %sub3A_55, %sign3A_58 : i32
      %sign3A_60 = arith.extui %sign3A_59 : i1 to i32
      %sign3A_61 = arith.subi %sign3A_57, %sign3A_60 : i32
      %sign3A_62 = arith.constant 0 : i32
      %sign3A_63 = arith.cmpi sgt, %jit3A, %sign3A_62 : i32
      %sign3A_64 = arith.extui %sign3A_63 : i1 to i32
      %sign3A_65 = arith.constant 0 : i32
      %sign3A_66 = arith.cmpi slt, %jit3A, %sign3A_65 : i32
      %sign3A_67 = arith.extui %sign3A_66 : i1 to i32
      %sign3A_68 = arith.subi %sign3A_64, %sign3A_67 : i32
      %ne3A = arith.cmpi ne, %sign3A_61, %sign3A_68 : i32
      %rem3A_69 = arith.remsi %sub3A_55, %jit3A : i32
      %ne3A_70 = arith.constant 0 : i32
      %ne3A_71 = arith.cmpi ne, %rem3A_69, %ne3A_70 : i32
      %and3A = arith.andi %ne3A, %ne3A_71 : i1
      %sub3A_72 = arith.constant 1 : i32
      %sub3A_73 = arith.subi %div3A, %sub3A_72 : i32
      %select_n3A = arith.select %and3A, %sub3A_73, %div3A : i32
      %while3A_74 = arith.constant 0 : i32
      %while3A_75 = arith.constant 0 : i32
      %while3A_76 = arith.subi %select_n3A, %while3A_75 : i32
      %while3A_77 = arith.addi %while3A_75, %while3A_76 : i32
      %while3A_78 = arith.constant 1 : i32
      %while3A_79 = arith.divsi %while3A_76, %while3A_78 : i32
      %while3A_80 = arith.muli %while3A_79, %while3A_78 : i32
      %while3A_81 = arith.addi %while3A_75, %while3A_80 : i32
      %while3A_82 = arith.constant 1 : i32
      scf.for %while3A_84 = %while3A_75 to %while3A_81 step %while3A_82  : i32 {
        %mul3A = arith.constant 8 : i32
        %mul3A_85 = arith.muli %while3A_84, %mul3A : i32
        %add3A_86 = arith.addi %get3A_52, %mul3A_85 : i32
        %add3A_87 = arith.addi %get3A_52, %get3A_50 : i32
        %add3A_88 = arith.constant 0 : i32
        %add3A_89 = arith.addi %add3A_86, %add3A_88 : i32
        %min3A = arith.constant 127 : i32
        %min3A_90 = arith.minsi %add3A_89, %min3A : i32
        %get3A_91 = arith.index_cast %min3A_90 : i32 to index
        %get3A_92 = memref.load %arg4[%get3A_91] : memref<128xi32, #tpu.memory_space<smem>>
        %get3A_93 = arith.index_cast %get3A_92 : i32 to index
        %get3A_94 = arith.constant 0 : index
        %get3A_95 = arith.constant 0 : index
        %get3A_96 = vector.load %arg5[%get3A_93, %get3A_94, %get3A_95] : memref<128x8x1024xf32, #tpu.memory_space<vmem>>, vector<1x8x1024xf32>
        %get3A_97 = vector.shape_cast %get3A_96 : vector<1x8x1024xf32> to vector<8x1024xf32>
        %swap3A = arith.constant 0 : index
        %swap3A_98 = arith.constant 0 : index
        %swap3A_99 = vector.load %arg10[%swap3A, %swap3A_98] : memref<64x1024xf32, #tpu.memory_space<vmem>>, vector<8x1024xf32>
        tpu.vector_store %arg10[%swap3A, %swap3A_98], %get3A_97 {strides = array<i32>} : memref<64x1024xf32, #tpu.memory_space<vmem>>, vector<8x1024xf32>,
        %add3A_100 = arith.constant 1 : i32
        %add3A_101 = arith.addi %add3A_86, %add3A_100 : i32
        %min3A_102 = arith.constant 127 : i32
        %min3A_103 = arith.minsi %add3A_101, %min3A_102 : i32
        %get3A_104 = arith.index_cast %min3A_103 : i32 to index
        %get3A_105 = memref.load %arg4[%get3A_104] : memref<128xi32, #tpu.memory_space<smem>>
        %get3A_106 = arith.index_cast %get3A_105 : i32 to index
        %get3A_107 = arith.constant 0 : index
        %get3A_108 = arith.constant 0 : index
        %get3A_109 = vector.load %arg5[%get3A_106, %get3A_107, %get3A_108] : memref<128x8x1024xf32, #tpu.memory_space<vmem>>, vector<1x8x1024xf32>
        %get3A_110 = vector.shape_cast %get3A_109 : vector<1x8x1024xf32> to vector<8x1024xf32>
        %swap3A_111 = arith.constant 8 : index
        %swap3A_112 = arith.constant 0 : index
        %swap3A_113 = vector.load %arg10[%swap3A_111, %swap3A_112] : memref<64x1024xf32, #tpu.memory_space<vmem>>, vector<8x1024xf32>
        tpu.vector_store %arg10[%swap3A_111, %swap3A_112], %get3A_110 {strides = array<i32>} : memref<64x1024xf32, #tpu.memory_space<vmem>>, vector<8x1024xf32>,
        %add3A_114 = arith.constant 2 : i32
        %add3A_115 = arith.addi %add3A_86, %add3A_114 : i32
        %min3A_116 = arith.constant 127 : i32
        %min3A_117 = arith.minsi %add3A_115, %min3A_116 : i32
        %get3A_118 = arith.index_cast %min3A_117 : i32 to index
        %get3A_119 = memref.load %arg4[%get3A_118] : memref<128xi32, #tpu.memory_space<smem>>
        %get3A_120 = arith.index_cast %get3A_119 : i32 to index
        %get3A_121 = arith.constant 0 : index
        %get3A_122 = arith.constant 0 : index
        %get3A_123 = vector.load %arg5[%get3A_120, %get3A_121, %get3A_122] : memref<128x8x1024xf32, #tpu.memory_space<vmem>>, vector<1x8x1024xf32>
        %get3A_124 = vector.shape_cast %get3A_123 : vector<1x8x1024xf32> to vector<8x1024xf32>
        %swap3A_125 = arith.constant 16 : index
        %swap3A_126 = arith.constant 0 : index
        %swap3A_127 = vector.load %arg10[%swap3A_125, %swap3A_126] : memref<64x1024xf32, #tpu.memory_space<vmem>>, vector<8x1024xf32>
        tpu.vector_store %arg10[%swap3A_125, %swap3A_126], %get3A_124 {strides = array<i32>} : memref<64x1024xf32, #tpu.memory_space<vmem>>, vector<8x1024xf32>,
        %add3A_128 = arith.constant 3 : i32
        %add3A_129 = arith.addi %add3A_86, %add3A_128 : i32
        %min3A_130 = arith.constant 127 : i32
        %min3A_131 = arith.minsi %add3A_129, %min3A_130 : i32
        %get3A_132 = arith.index_cast %min3A_131 : i32 to index
        %get3A_133 = memref.load %arg4[%get3A_132] : memref<128xi32, #tpu.memory_space<smem>>
        %get3A_134 = arith.index_cast %get3A_133 : i32 to index
        %get3A_135 = arith.constant 0 : index
        %get3A_136 = arith.constant 0 : index
        %get3A_137 = vector.load %arg5[%get3A_134, %get3A_135, %get3A_136] : memref<128x8x1024xf32, #tpu.memory_space<vmem>>, vector<1x8x1024xf32>
        %get3A_138 = vector.shape_cast %get3A_137 : vector<1x8x1024xf32> to vector<8x1024xf32>
        %swap3A_139 = arith.constant 24 : index
        %swap3A_140 = arith.constant 0 : index
        %swap3A_141 = vector.load %arg10[%swap3A_139, %swap3A_140] : memref<64x1024xf32, #tpu.memory_space<vmem>>, vector<8x1024xf32>
        tpu.vector_store %arg10[%swap3A_139, %swap3A_140], %get3A_138 {strides = array<i32>} : memref<64x1024xf32, #tpu.memory_space<vmem>>, vector<8x1024xf32>,
        %add3A_142 = arith.constant 4 : i32
        %add3A_143 = arith.addi %add3A_86, %add3A_142 : i32
        %min3A_144 = arith.constant 127 : i32
        %min3A_145 = arith.minsi %add3A_143, %min3A_144 : i32
        %get3A_146 = arith.index_cast %min3A_145 : i32 to index
        %get3A_147 = memref.load %arg4[%get3A_146] : memref<128xi32, #tpu.memory_space<smem>>
        %get3A_148 = arith.index_cast %get3A_147 : i32 to index
        %get3A_149 = arith.constant 0 : index
        %get3A_150 = arith.constant 0 : index
        %get3A_151 = vector.load %arg5[%get3A_148, %get3A_149, %get3A_150] : memref<128x8x1024xf32, #tpu.memory_space<vmem>>, vector<1x8x1024xf32>
        %get3A_152 = vector.shape_cast %get3A_151 : vector<1x8x1024xf32> to vector<8x1024xf32>
        %swap3A_153 = arith.constant 32 : index
        %swap3A_154 = arith.constant 0 : index
        %swap3A_155 = vector.load %arg10[%swap3A_153, %swap3A_154] : memref<64x1024xf32, #tpu.memory_space<vmem>>, vector<8x1024xf32>
        tpu.vector_store %arg10[%swap3A_153, %swap3A_154], %get3A_152 {strides = array<i32>} : memref<64x1024xf32, #tpu.memory_space<vmem>>, vector<8x1024xf32>,
        %add3A_156 = arith.constant 5 : i32
        %add3A_157 = arith.addi %add3A_86, %add3A_156 : i32
        %min3A_158 = arith.constant 127 : i32
        %min3A_159 = arith.minsi %add3A_157, %min3A_158 : i32
        %get3A_160 = arith.index_cast %min3A_159 : i32 to index
        %get3A_161 = memref.load %arg4[%get3A_160] : memref<128xi32, #tpu.memory_space<smem>>
        %get3A_162 = arith.index_cast %get3A_161 : i32 to index
        %get3A_163 = arith.constant 0 : index
        %get3A_164 = arith.constant 0 : index
        %get3A_165 = vector.load %arg5[%get3A_162, %get3A_163, %get3A_164] : memref<128x8x1024xf32, #tpu.memory_space<vmem>>, vector<1x8x1024xf32>
        %get3A_166 = vector.shape_cast %get3A_165 : vector<1x8x1024xf32> to vector<8x1024xf32>
        %swap3A_167 = arith.constant 40 : index
        %swap3A_168 = arith.constant 0 : index
        %swap3A_169 = vector.load %arg10[%swap3A_167, %swap3A_168] : memref<64x1024xf32, #tpu.memory_space<vmem>>, vector<8x1024xf32>
        tpu.vector_store %arg10[%swap3A_167, %swap3A_168], %get3A_166 {strides = array<i32>} : memref<64x1024xf32, #tpu.memory_space<vmem>>, vector<8x1024xf32>,
        %add3A_170 = arith.constant 6 : i32
        %add3A_171 = arith.addi %add3A_86, %add3A_170 : i32
        %min3A_172 = arith.constant 127 : i32
        %min3A_173 = arith.minsi %add3A_171, %min3A_172 : i32
        %get3A_174 = arith.index_cast %min3A_173 : i32 to index
        %get3A_175 = memref.load %arg4[%get3A_174] : memref<128xi32, #tpu.memory_space<smem>>
        %get3A_176 = arith.index_cast %get3A_175 : i32 to index
        %get3A_177 = arith.constant 0 : index
        %get3A_178 = arith.constant 0 : index
        %get3A_179 = vector.load %arg5[%get3A_176, %get3A_177, %get3A_178] : memref<128x8x1024xf32, #tpu.memory_space<vmem>>, vector<1x8x1024xf32>
        %get3A_180 = vector.shape_cast %get3A_179 : vector<1x8x1024xf32> to vector<8x1024xf32>
        %swap3A_181 = arith.constant 48 : index
        %swap3A_182 = arith.constant 0 : index
        %swap3A_183 = vector.load %arg10[%swap3A_181, %swap3A_182] : memref<64x1024xf32, #tpu.memory_space<vmem>>, vector<8x1024xf32>
        tpu.vector_store %arg10[%swap3A_181, %swap3A_182], %get3A_180 {strides = array<i32>} : memref<64x1024xf32, #tpu.memory_space<vmem>>, vector<8x1024xf32>,
        %add3A_184 = arith.constant 7 : i32
        %add3A_185 = arith.addi %add3A_86, %add3A_184 : i32
        %min3A_186 = arith.constant 127 : i32
        %min3A_187 = arith.minsi %add3A_185, %min3A_186 : i32
        %get3A_188 = arith.index_cast %min3A_187 : i32 to index
        %get3A_189 = memref.load %arg4[%get3A_188] : memref<128xi32, #tpu.memory_space<smem>>
        %get3A_190 = arith.index_cast %get3A_189 : i32 to index
        %get3A_191 = arith.constant 0 : index
        %get3A_192 = arith.constant 0 : index
        %get3A_193 = vector.load %arg5[%get3A_190, %get3A_191, %get3A_192] : memref<128x8x1024xf32, #tpu.memory_space<vmem>>, vector<1x8x1024xf32>
        %get3A_194 = vector.shape_cast %get3A_193 : vector<1x8x1024xf32> to vector<8x1024xf32>
        %swap3A_195 = arith.constant 56 : index
        %swap3A_196 = arith.constant 0 : index
        %swap3A_197 = vector.load %arg10[%swap3A_195, %swap3A_196] : memref<64x1024xf32, #tpu.memory_space<vmem>>, vector<8x1024xf32>
        tpu.vector_store %arg10[%swap3A_195, %swap3A_196], %get3A_194 {strides = array<i32>} : memref<64x1024xf32, #tpu.memory_space<vmem>>, vector<8x1024xf32>,
        %get3A_198 = arith.constant 0 : index
        %get3A_199 = arith.constant 0 : index
        %get3A_200 = vector.load %arg10[%get3A_198, %get3A_199] : memref<64x1024xf32, #tpu.memory_space<vmem>>, vector<64x1024xf32>
        %get3A_201 = arith.index_cast %rem3A_28 : i32 to index
        %get3A_202 = arith.constant 0 : index
        %get3A_203 = arith.constant 0 : index
        %get3A_204 = vector.load %arg9[%get3A_201, %get3A_202, %get3A_203] : memref<4x1024x1024xf32, #tpu.memory_space<vmem>>, vector<1x1024x1024xf32>
        %get3A_205 = vector.shape_cast %get3A_204 : vector<1x1024x1024xf32> to vector<1024x1024xf32>
        %dot_general3A = arith.constant dense<0.000000e+00> : vector<64x1024xf32>
        %dot_general3A_206 = tpu.matmul %get3A_200, %get3A_205, %dot_general3A {dimension_numbers = #tpu.dot_dimension_numbers<[1], [1], [0], [0], [0, 0, 1, 0], [], []>, transpose_lhs_hint = false} : vector<64x1024xf32>, vector<1024x1024xf32>, vector<64x1024xf32> -> vector<64x1024xf32>
        %get3A_207 = arith.index_cast %get3A_48 : i32 to index
        %get3A_208 = arith.constant 0 : index
        %get3A_209 = vector.load %arg7[%get3A_207, %get3A_208] : memref<64x1024xf32, #tpu.memory_space<vmem>>, vector<1x1024xf32>
        %add3A_210 = vector.broadcast %get3A_209 : vector<1x1024xf32> to vector<64x1024xf32>
        %add3A_211 = arith.addf %dot_general3A_206, %add3A_210 : vector<64x1024xf32>
        %add3A_212 = arith.constant 0 : i32
        %add3A_213 = arith.addi %add3A_86, %add3A_212 : i32
        %lt3A_214 = arith.cmpi slt, %add3A_213, %add3A_87 : i32
        %convert_element_type3A_215 = arith.extui %lt3A_214 : i1 to i32
        %cond3A_216 = arith.constant 0 : i32
        %cond3A_217 = arith.cmpi ne, %convert_element_type3A_215, %cond3A_216 : i32
        scf.if %cond3A_217 {
          %min3A_260 = arith.constant 127 : i32
          %min3A_261 = arith.minsi %add3A_213, %min3A_260 : i32
          %get3A_262 = arith.index_cast %min3A_261 : i32 to index
          %get3A_263 = memref.load %arg4[%get3A_262] : memref<128xi32, #tpu.memory_space<smem>>
          %slice3A = vector.extract_strided_slice %add3A_211 {offsets = [0, 0], sizes = [8, 1024], strides = [1, 1]} : vector<64x1024xf32> to vector<8x1024xf32>
          %swap3A_264 = arith.index_cast %get3A_263 : i32 to index
          %swap3A_265 = arith.constant 0 : index
          %swap3A_266 = arith.constant 0 : index
          %swap3A_267 = vector.load %arg8[%swap3A_264, %swap3A_265, %swap3A_266] : memref<128x8x1024xf32, #tpu.memory_space<vmem>>, vector<1x8x1024xf32>
          %swap3A_268 = vector.shape_cast %swap3A_267 : vector<1x8x1024xf32> to vector<8x1024xf32>
          %swap3A_269 = vector.shape_cast %slice3A : vector<8x1024xf32> to vector<1x8x1024xf32>
          tpu.vector_store %arg8[%swap3A_264, %swap3A_265, %swap3A_266], %swap3A_269 {strides = array<i32>} : memref<128x8x1024xf32, #tpu.memory_space<vmem>>, vector<1x8x1024xf32>,
        } else {
        }
        %add3A_218 = arith.constant 1 : i32
        %add3A_219 = arith.addi %add3A_86, %add3A_218 : i32
        %lt3A_220 = arith.cmpi slt, %add3A_219, %add3A_87 : i32
        %convert_element_type3A_221 = arith.extui %lt3A_220 : i1 to i32
        %cond3A_222 = arith.constant 0 : i32
        %cond3A_223 = arith.cmpi ne, %convert_element_type3A_221, %cond3A_222 : i32
        scf.if %cond3A_223 {
          %min3A_260 = arith.constant 127 : i32
          %min3A_261 = arith.minsi %add3A_219, %min3A_260 : i32
          %get3A_262 = arith.index_cast %min3A_261 : i32 to index
          %get3A_263 = memref.load %arg4[%get3A_262] : memref<128xi32, #tpu.memory_space<smem>>
          %slice3A = vector.extract_strided_slice %add3A_211 {offsets = [8, 0], sizes = [8, 1024], strides = [1, 1]} : vector<64x1024xf32> to vector<8x1024xf32>
          %swap3A_264 = arith.index_cast %get3A_263 : i32 to index
          %swap3A_265 = arith.constant 0 : index
          %swap3A_266 = arith.constant 0 : index
          %swap3A_267 = vector.load %arg8[%swap3A_264, %swap3A_265, %swap3A_266] : memref<128x8x1024xf32, #tpu.memory_space<vmem>>, vector<1x8x1024xf32>
          %swap3A_268 = vector.shape_cast %swap3A_267 : vector<1x8x1024xf32> to vector<8x1024xf32>
          %swap3A_269 = vector.shape_cast %slice3A : vector<8x1024xf32> to vector<1x8x1024xf32>
          tpu.vector_store %arg8[%swap3A_264, %swap3A_265, %swap3A_266], %swap3A_269 {strides = array<i32>} : memref<128x8x1024xf32, #tpu.memory_space<vmem>>, vector<1x8x1024xf32>,
        } else {
        }
        %add3A_224 = arith.constant 2 : i32
        %add3A_225 = arith.addi %add3A_86, %add3A_224 : i32
        %lt3A_226 = arith.cmpi slt, %add3A_225, %add3A_87 : i32
        %convert_element_type3A_227 = arith.extui %lt3A_226 : i1 to i32
        %cond3A_228 = arith.constant 0 : i32
        %cond3A_229 = arith.cmpi ne, %convert_element_type3A_227, %cond3A_228 : i32
        scf.if %cond3A_229 {
          %min3A_260 = arith.constant 127 : i32
          %min3A_261 = arith.minsi %add3A_225, %min3A_260 : i32
          %get3A_262 = arith.index_cast %min3A_261 : i32 to index
          %get3A_263 = memref.load %arg4[%get3A_262] : memref<128xi32, #tpu.memory_space<smem>>
          %slice3A = vector.extract_strided_slice %add3A_211 {offsets = [16, 0], sizes = [8, 1024], strides = [1, 1]} : vector<64x1024xf32> to vector<8x1024xf32>
          %swap3A_264 = arith.index_cast %get3A_263 : i32 to index
          %swap3A_265 = arith.constant 0 : index
          %swap3A_266 = arith.constant 0 : index
          %swap3A_267 = vector.load %arg8[%swap3A_264, %swap3A_265, %swap3A_266] : memref<128x8x1024xf32, #tpu.memory_space<vmem>>, vector<1x8x1024xf32>
          %swap3A_268 = vector.shape_cast %swap3A_267 : vector<1x8x1024xf32> to vector<8x1024xf32>
          %swap3A_269 = vector.shape_cast %slice3A : vector<8x1024xf32> to vector<1x8x1024xf32>
          tpu.vector_store %arg8[%swap3A_264, %swap3A_265, %swap3A_266], %swap3A_269 {strides = array<i32>} : memref<128x8x1024xf32, #tpu.memory_space<vmem>>, vector<1x8x1024xf32>,
        } else {
        }
        %add3A_230 = arith.constant 3 : i32
        %add3A_231 = arith.addi %add3A_86, %add3A_230 : i32
        %lt3A_232 = arith.cmpi slt, %add3A_231, %add3A_87 : i32
        %convert_element_type3A_233 = arith.extui %lt3A_232 : i1 to i32
        %cond3A_234 = arith.constant 0 : i32
        %cond3A_235 = arith.cmpi ne, %convert_element_type3A_233, %cond3A_234 : i32
        scf.if %cond3A_235 {
          %min3A_260 = arith.constant 127 : i32
          %min3A_261 = arith.minsi %add3A_231, %min3A_260 : i32
          %get3A_262 = arith.index_cast %min3A_261 : i32 to index
          %get3A_263 = memref.load %arg4[%get3A_262] : memref<128xi32, #tpu.memory_space<smem>>
          %slice3A = vector.extract_strided_slice %add3A_211 {offsets = [24, 0], sizes = [8, 1024], strides = [1, 1]} : vector<64x1024xf32> to vector<8x1024xf32>
          %swap3A_264 = arith.index_cast %get3A_263 : i32 to index
          %swap3A_265 = arith.constant 0 : index
          %swap3A_266 = arith.constant 0 : index
          %swap3A_267 = vector.load %arg8[%swap3A_264, %swap3A_265, %swap3A_266] : memref<128x8x1024xf32, #tpu.memory_space<vmem>>, vector<1x8x1024xf32>
          %swap3A_268 = vector.shape_cast %swap3A_267 : vector<1x8x1024xf32> to vector<8x1024xf32>
          %swap3A_269 = vector.shape_cast %slice3A : vector<8x1024xf32> to vector<1x8x1024xf32>
          tpu.vector_store %arg8[%swap3A_264, %swap3A_265, %swap3A_266], %swap3A_269 {strides = array<i32>} : memref<128x8x1024xf32, #tpu.memory_space<vmem>>, vector<1x8x1024xf32>,
        } else {
        }
        %add3A_236 = arith.constant 4 : i32
        %add3A_237 = arith.addi %add3A_86, %add3A_236 : i32
        %lt3A_238 = arith.cmpi slt, %add3A_237, %add3A_87 : i32
        %convert_element_type3A_239 = arith.extui %lt3A_238 : i1 to i32
        %cond3A_240 = arith.constant 0 : i32
        %cond3A_241 = arith.cmpi ne, %convert_element_type3A_239, %cond3A_240 : i32
        scf.if %cond3A_241 {
          %min3A_260 = arith.constant 127 : i32
          %min3A_261 = arith.minsi %add3A_237, %min3A_260 : i32
          %get3A_262 = arith.index_cast %min3A_261 : i32 to index
          %get3A_263 = memref.load %arg4[%get3A_262] : memref<128xi32, #tpu.memory_space<smem>>
          %slice3A = vector.extract_strided_slice %add3A_211 {offsets = [32, 0], sizes = [8, 1024], strides = [1, 1]} : vector<64x1024xf32> to vector<8x1024xf32>
          %swap3A_264 = arith.index_cast %get3A_263 : i32 to index
          %swap3A_265 = arith.constant 0 : index
          %swap3A_266 = arith.constant 0 : index
          %swap3A_267 = vector.load %arg8[%swap3A_264, %swap3A_265, %swap3A_266] : memref<128x8x1024xf32, #tpu.memory_space<vmem>>, vector<1x8x1024xf32>
          %swap3A_268 = vector.shape_cast %swap3A_267 : vector<1x8x1024xf32> to vector<8x1024xf32>
          %swap3A_269 = vector.shape_cast %slice3A : vector<8x1024xf32> to vector<1x8x1024xf32>
          tpu.vector_store %arg8[%swap3A_264, %swap3A_265, %swap3A_266], %swap3A_269 {strides = array<i32>} : memref<128x8x1024xf32, #tpu.memory_space<vmem>>, vector<1x8x1024xf32>,
        } else {
        }
        %add3A_242 = arith.constant 5 : i32
        %add3A_243 = arith.addi %add3A_86, %add3A_242 : i32
        %lt3A_244 = arith.cmpi slt, %add3A_243, %add3A_87 : i32
        %convert_element_type3A_245 = arith.extui %lt3A_244 : i1 to i32
        %cond3A_246 = arith.constant 0 : i32
        %cond3A_247 = arith.cmpi ne, %convert_element_type3A_245, %cond3A_246 : i32
        scf.if %cond3A_247 {
          %min3A_260 = arith.constant 127 : i32
          %min3A_261 = arith.minsi %add3A_243, %min3A_260 : i32
          %get3A_262 = arith.index_cast %min3A_261 : i32 to index
          %get3A_263 = memref.load %arg4[%get3A_262] : memref<128xi32, #tpu.memory_space<smem>>
          %slice3A = vector.extract_strided_slice %add3A_211 {offsets = [40, 0], sizes = [8, 1024], strides = [1, 1]} : vector<64x1024xf32> to vector<8x1024xf32>
          %swap3A_264 = arith.index_cast %get3A_263 : i32 to index
          %swap3A_265 = arith.constant 0 : index
          %swap3A_266 = arith.constant 0 : index
          %swap3A_267 = vector.load %arg8[%swap3A_264, %swap3A_265, %swap3A_266] : memref<128x8x1024xf32, #tpu.memory_space<vmem>>, vector<1x8x1024xf32>
          %swap3A_268 = vector.shape_cast %swap3A_267 : vector<1x8x1024xf32> to vector<8x1024xf32>
          %swap3A_269 = vector.shape_cast %slice3A : vector<8x1024xf32> to vector<1x8x1024xf32>
          tpu.vector_store %arg8[%swap3A_264, %swap3A_265, %swap3A_266], %swap3A_269 {strides = array<i32>} : memref<128x8x1024xf32, #tpu.memory_space<vmem>>, vector<1x8x1024xf32>,
        } else {
        }
        %add3A_248 = arith.constant 6 : i32
        %add3A_249 = arith.addi %add3A_86, %add3A_248 : i32
        %lt3A_250 = arith.cmpi slt, %add3A_249, %add3A_87 : i32
        %convert_element_type3A_251 = arith.extui %lt3A_250 : i1 to i32
        %cond3A_252 = arith.constant 0 : i32
        %cond3A_253 = arith.cmpi ne, %convert_element_type3A_251, %cond3A_252 : i32
        scf.if %cond3A_253 {
          %min3A_260 = arith.constant 127 : i32
          %min3A_261 = arith.minsi %add3A_249, %min3A_260 : i32
          %get3A_262 = arith.index_cast %min3A_261 : i32 to index
          %get3A_263 = memref.load %arg4[%get3A_262] : memref<128xi32, #tpu.memory_space<smem>>
          %slice3A = vector.extract_strided_slice %add3A_211 {offsets = [48, 0], sizes = [8, 1024], strides = [1, 1]} : vector<64x1024xf32> to vector<8x1024xf32>
          %swap3A_264 = arith.index_cast %get3A_263 : i32 to index
          %swap3A_265 = arith.constant 0 : index
          %swap3A_266 = arith.constant 0 : index
          %swap3A_267 = vector.load %arg8[%swap3A_264, %swap3A_265, %swap3A_266] : memref<128x8x1024xf32, #tpu.memory_space<vmem>>, vector<1x8x1024xf32>
          %swap3A_268 = vector.shape_cast %swap3A_267 : vector<1x8x1024xf32> to vector<8x1024xf32>
          %swap3A_269 = vector.shape_cast %slice3A : vector<8x1024xf32> to vector<1x8x1024xf32>
          tpu.vector_store %arg8[%swap3A_264, %swap3A_265, %swap3A_266], %swap3A_269 {strides = array<i32>} : memref<128x8x1024xf32, #tpu.memory_space<vmem>>, vector<1x8x1024xf32>,
        } else {
        }
        %add3A_254 = arith.constant 7 : i32
        %add3A_255 = arith.addi %add3A_86, %add3A_254 : i32
        %lt3A_256 = arith.cmpi slt, %add3A_255, %add3A_87 : i32
        %convert_element_type3A_257 = arith.extui %lt3A_256 : i1 to i32
        %cond3A_258 = arith.constant 0 : i32
        %cond3A_259 = arith.cmpi ne, %convert_element_type3A_257, %cond3A_258 : i32
        scf.if %cond3A_259 {
          %min3A_260 = arith.constant 127 : i32
          %min3A_261 = arith.minsi %add3A_255, %min3A_260 : i32
          %get3A_262 = arith.index_cast %min3A_261 : i32 to index
          %get3A_263 = memref.load %arg4[%get3A_262] : memref<128xi32, #tpu.memory_space<smem>>
          %slice3A = vector.extract_strided_slice %add3A_211 {offsets = [56, 0], sizes = [8, 1024], strides = [1, 1]} : vector<64x1024xf32> to vector<8x1024xf32>
          %swap3A_264 = arith.index_cast %get3A_263 : i32 to index
          %swap3A_265 = arith.constant 0 : index
          %swap3A_266 = arith.constant 0 : index
          %swap3A_267 = vector.load %arg8[%swap3A_264, %swap3A_265, %swap3A_266] : memref<128x8x1024xf32, #tpu.memory_space<vmem>>, vector<1x8x1024xf32>
          %swap3A_268 = vector.shape_cast %swap3A_267 : vector<1x8x1024xf32> to vector<8x1024xf32>
          %swap3A_269 = vector.shape_cast %slice3A : vector<8x1024xf32> to vector<1x8x1024xf32>
          tpu.vector_store %arg8[%swap3A_264, %swap3A_265, %swap3A_266], %swap3A_269 {strides = array<i32>} : memref<128x8x1024xf32, #tpu.memory_space<vmem>>, vector<1x8x1024xf32>,
        } else {
        }
      }
      %while3A_83 = arith.constant 1 : i32
      scf.for %while3A_84 = %while3A_81 to %while3A_77 step %while3A_83  : i32 {
        %mul3A = arith.constant 8 : i32
        %mul3A_85 = arith.muli %while3A_84, %mul3A : i32
        %add3A_86 = arith.addi %get3A_52, %mul3A_85 : i32
        %add3A_87 = arith.addi %get3A_52, %get3A_50 : i32
        %add3A_88 = arith.constant 0 : i32
        %add3A_89 = arith.addi %add3A_86, %add3A_88 : i32
        %min3A = arith.constant 127 : i32
        %min3A_90 = arith.minsi %add3A_89, %min3A : i32
        %get3A_91 = arith.index_cast %min3A_90 : i32 to index
        %get3A_92 = memref.load %arg4[%get3A_91] : memref<128xi32, #tpu.memory_space<smem>>
        %get3A_93 = arith.index_cast %get3A_92 : i32 to index
        %get3A_94 = arith.constant 0 : index
        %get3A_95 = arith.constant 0 : index
        %get3A_96 = vector.load %arg5[%get3A_93, %get3A_94, %get3A_95] : memref<128x8x1024xf32, #tpu.memory_space<vmem>>, vector<1x8x1024xf32>
        %get3A_97 = vector.shape_cast %get3A_96 : vector<1x8x1024xf32> to vector<8x1024xf32>
        %swap3A = arith.constant 0 : index
        %swap3A_98 = arith.constant 0 : index
        %swap3A_99 = vector.load %arg10[%swap3A, %swap3A_98] : memref<64x1024xf32, #tpu.memory_space<vmem>>, vector<8x1024xf32>
        tpu.vector_store %arg10[%swap3A, %swap3A_98], %get3A_97 {strides = array<i32>} : memref<64x1024xf32, #tpu.memory_space<vmem>>, vector<8x1024xf32>,
        %add3A_100 = arith.constant 1 : i32
        %add3A_101 = arith.addi %add3A_86, %add3A_100 : i32
        %min3A_102 = arith.constant 127 : i32
        %min3A_103 = arith.minsi %add3A_101, %min3A_102 : i32
        %get3A_104 = arith.index_cast %min3A_103 : i32 to index
        %get3A_105 = memref.load %arg4[%get3A_104] : memref<128xi32, #tpu.memory_space<smem>>
        %get3A_106 = arith.index_cast %get3A_105 : i32 to index
        %get3A_107 = arith.constant 0 : index
        %get3A_108 = arith.constant 0 : index
        %get3A_109 = vector.load %arg5[%get3A_106, %get3A_107, %get3A_108] : memref<128x8x1024xf32, #tpu.memory_space<vmem>>, vector<1x8x1024xf32>
        %get3A_110 = vector.shape_cast %get3A_109 : vector<1x8x1024xf32> to vector<8x1024xf32>
        %swap3A_111 = arith.constant 8 : index
        %swap3A_112 = arith.constant 0 : index
        %swap3A_113 = vector.load %arg10[%swap3A_111, %swap3A_112] : memref<64x1024xf32, #tpu.memory_space<vmem>>, vector<8x1024xf32>
        tpu.vector_store %arg10[%swap3A_111, %swap3A_112], %get3A_110 {strides = array<i32>} : memref<64x1024xf32, #tpu.memory_space<vmem>>, vector<8x1024xf32>,
        %add3A_114 = arith.constant 2 : i32
        %add3A_115 = arith.addi %add3A_86, %add3A_114 : i32
        %min3A_116 = arith.constant 127 : i32
        %min3A_117 = arith.minsi %add3A_115, %min3A_116 : i32
        %get3A_118 = arith.index_cast %min3A_117 : i32 to index
        %get3A_119 = memref.load %arg4[%get3A_118] : memref<128xi32, #tpu.memory_space<smem>>
        %get3A_120 = arith.index_cast %get3A_119 : i32 to index
        %get3A_121 = arith.constant 0 : index
        %get3A_122 = arith.constant 0 : index
        %get3A_123 = vector.load %arg5[%get3A_120, %get3A_121, %get3A_122] : memref<128x8x1024xf32, #tpu.memory_space<vmem>>, vector<1x8x1024xf32>
        %get3A_124 = vector.shape_cast %get3A_123 : vector<1x8x1024xf32> to vector<8x1024xf32>
        %swap3A_125 = arith.constant 16 : index
        %swap3A_126 = arith.constant 0 : index
        %swap3A_127 = vector.load %arg10[%swap3A_125, %swap3A_126] : memref<64x1024xf32, #tpu.memory_space<vmem>>, vector<8x1024xf32>
        tpu.vector_store %arg10[%swap3A_125, %swap3A_126], %get3A_124 {strides = array<i32>} : memref<64x1024xf32, #tpu.memory_space<vmem>>, vector<8x1024xf32>,
        %add3A_128 = arith.constant 3 : i32
        %add3A_129 = arith.addi %add3A_86, %add3A_128 : i32
        %min3A_130 = arith.constant 127 : i32
        %min3A_131 = arith.minsi %add3A_129, %min3A_130 : i32
        %get3A_132 = arith.index_cast %min3A_131 : i32 to index
        %get3A_133 = memref.load %arg4[%get3A_132] : memref<128xi32, #tpu.memory_space<smem>>
        %get3A_134 = arith.index_cast %get3A_133 : i32 to index
        %get3A_135 = arith.constant 0 : index
        %get3A_136 = arith.constant 0 : index
        %get3A_137 = vector.load %arg5[%get3A_134, %get3A_135, %get3A_136] : memref<128x8x1024xf32, #tpu.memory_space<vmem>>, vector<1x8x1024xf32>
        %get3A_138 = vector.shape_cast %get3A_137 : vector<1x8x1024xf32> to vector<8x1024xf32>
        %swap3A_139 = arith.constant 24 : index
        %swap3A_140 = arith.constant 0 : index
        %swap3A_141 = vector.load %arg10[%swap3A_139, %swap3A_140] : memref<64x1024xf32, #tpu.memory_space<vmem>>, vector<8x1024xf32>
        tpu.vector_store %arg10[%swap3A_139, %swap3A_140], %get3A_138 {strides = array<i32>} : memref<64x1024xf32, #tpu.memory_space<vmem>>, vector<8x1024xf32>,
        %add3A_142 = arith.constant 4 : i32
        %add3A_143 = arith.addi %add3A_86, %add3A_142 : i32
        %min3A_144 = arith.constant 127 : i32
        %min3A_145 = arith.minsi %add3A_143, %min3A_144 : i32
        %get3A_146 = arith.index_cast %min3A_145 : i32 to index
        %get3A_147 = memref.load %arg4[%get3A_146] : memref<128xi32, #tpu.memory_space<smem>>
        %get3A_148 = arith.index_cast %get3A_147 : i32 to index
        %get3A_149 = arith.constant 0 : index
        %get3A_150 = arith.constant 0 : index
        %get3A_151 = vector.load %arg5[%get3A_148, %get3A_149, %get3A_150] : memref<128x8x1024xf32, #tpu.memory_space<vmem>>, vector<1x8x1024xf32>
        %get3A_152 = vector.shape_cast %get3A_151 : vector<1x8x1024xf32> to vector<8x1024xf32>
        %swap3A_153 = arith.constant 32 : index
        %swap3A_154 = arith.constant 0 : index
        %swap3A_155 = vector.load %arg10[%swap3A_153, %swap3A_154] : memref<64x1024xf32, #tpu.memory_space<vmem>>, vector<8x1024xf32>
        tpu.vector_store %arg10[%swap3A_153, %swap3A_154], %get3A_152 {strides = array<i32>} : memref<64x1024xf32, #tpu.memory_space<vmem>>, vector<8x1024xf32>,
        %add3A_156 = arith.constant 5 : i32
        %add3A_157 = arith.addi %add3A_86, %add3A_156 : i32
        %min3A_158 = arith.constant 127 : i32
        %min3A_159 = arith.minsi %add3A_157, %min3A_158 : i32
        %get3A_160 = arith.index_cast %min3A_159 : i32 to index
        %get3A_161 = memref.load %arg4[%get3A_160] : memref<128xi32, #tpu.memory_space<smem>>
        %get3A_162 = arith.index_cast %get3A_161 : i32 to index
        %get3A_163 = arith.constant 0 : index
        %get3A_164 = arith.constant 0 : index
        %get3A_165 = vector.load %arg5[%get3A_162, %get3A_163, %get3A_164] : memref<128x8x1024xf32, #tpu.memory_space<vmem>>, vector<1x8x1024xf32>
        %get3A_166 = vector.shape_cast %get3A_165 : vector<1x8x1024xf32> to vector<8x1024xf32>
        %swap3A_167 = arith.constant 40 : index
        %swap3A_168 = arith.constant 0 : index
        %swap3A_169 = vector.load %arg10[%swap3A_167, %swap3A_168] : memref<64x1024xf32, #tpu.memory_space<vmem>>, vector<8x1024xf32>
        tpu.vector_store %arg10[%swap3A_167, %swap3A_168], %get3A_166 {strides = array<i32>} : memref<64x1024xf32, #tpu.memory_space<vmem>>, vector<8x1024xf32>,
        %add3A_170 = arith.constant 6 : i32
        %add3A_171 = arith.addi %add3A_86, %add3A_170 : i32
        %min3A_172 = arith.constant 127 : i32
        %min3A_173 = arith.minsi %add3A_171, %min3A_172 : i32
        %get3A_174 = arith.index_cast %min3A_173 : i32 to index
        %get3A_175 = memref.load %arg4[%get3A_174] : memref<128xi32, #tpu.memory_space<smem>>
        %get3A_176 = arith.index_cast %get3A_175 : i32 to index
        %get3A_177 = arith.constant 0 : index
        %get3A_178 = arith.constant 0 : index
        %get3A_179 = vector.load %arg5[%get3A_176, %get3A_177, %get3A_178] : memref<128x8x1024xf32, #tpu.memory_space<vmem>>, vector<1x8x1024xf32>
        %get3A_180 = vector.shape_cast %get3A_179 : vector<1x8x1024xf32> to vector<8x1024xf32>
        %swap3A_181 = arith.constant 48 : index
        %swap3A_182 = arith.constant 0 : index
        %swap3A_183 = vector.load %arg10[%swap3A_181, %swap3A_182] : memref<64x1024xf32, #tpu.memory_space<vmem>>, vector<8x1024xf32>
        tpu.vector_store %arg10[%swap3A_181, %swap3A_182], %get3A_180 {strides = array<i32>} : memref<64x1024xf32, #tpu.memory_space<vmem>>, vector<8x1024xf32>,
        %add3A_184 = arith.constant 7 : i32
        %add3A_185 = arith.addi %add3A_86, %add3A_184 : i32
        %min3A_186 = arith.constant 127 : i32
        %min3A_187 = arith.minsi %add3A_185, %min3A_186 : i32
        %get3A_188 = arith.index_cast %min3A_187 : i32 to index
        %get3A_189 = memref.load %arg4[%get3A_188] : memref<128xi32, #tpu.memory_space<smem>>
        %get3A_190 = arith.index_cast %get3A_189 : i32 to index
        %get3A_191 = arith.constant 0 : index
        %get3A_192 = arith.constant 0 : index
        %get3A_193 = vector.load %arg5[%get3A_190, %get3A_191, %get3A_192] : memref<128x8x1024xf32, #tpu.memory_space<vmem>>, vector<1x8x1024xf32>
        %get3A_194 = vector.shape_cast %get3A_193 : vector<1x8x1024xf32> to vector<8x1024xf32>
        %swap3A_195 = arith.constant 56 : index
        %swap3A_196 = arith.constant 0 : index
        %swap3A_197 = vector.load %arg10[%swap3A_195, %swap3A_196] : memref<64x1024xf32, #tpu.memory_space<vmem>>, vector<8x1024xf32>
        tpu.vector_store %arg10[%swap3A_195, %swap3A_196], %get3A_194 {strides = array<i32>} : memref<64x1024xf32, #tpu.memory_space<vmem>>, vector<8x1024xf32>,
        %get3A_198 = arith.constant 0 : index
        %get3A_199 = arith.constant 0 : index
        %get3A_200 = vector.load %arg10[%get3A_198, %get3A_199] : memref<64x1024xf32, #tpu.memory_space<vmem>>, vector<64x1024xf32>
        %get3A_201 = arith.index_cast %rem3A_28 : i32 to index
        %get3A_202 = arith.constant 0 : index
        %get3A_203 = arith.constant 0 : index
        %get3A_204 = vector.load %arg9[%get3A_201, %get3A_202, %get3A_203] : memref<4x1024x1024xf32, #tpu.memory_space<vmem>>, vector<1x1024x1024xf32>
        %get3A_205 = vector.shape_cast %get3A_204 : vector<1x1024x1024xf32> to vector<1024x1024xf32>
        %dot_general3A = arith.constant dense<0.000000e+00> : vector<64x1024xf32>
        %dot_general3A_206 = tpu.matmul %get3A_200, %get3A_205, %dot_general3A {dimension_numbers = #tpu.dot_dimension_numbers<[1], [1], [0], [0], [0, 0, 1, 0], [], []>, transpose_lhs_hint = false} : vector<64x1024xf32>, vector<1024x1024xf32>, vector<64x1024xf32> -> vector<64x1024xf32>
        %get3A_207 = arith.index_cast %get3A_48 : i32 to index
        %get3A_208 = arith.constant 0 : index
        %get3A_209 = vector.load %arg7[%get3A_207, %get3A_208] : memref<64x1024xf32, #tpu.memory_space<vmem>>, vector<1x1024xf32>
        %add3A_210 = vector.broadcast %get3A_209 : vector<1x1024xf32> to vector<64x1024xf32>
        %add3A_211 = arith.addf %dot_general3A_206, %add3A_210 : vector<64x1024xf32>
        %add3A_212 = arith.constant 0 : i32
        %add3A_213 = arith.addi %add3A_86, %add3A_212 : i32
        %lt3A_214 = arith.cmpi slt, %add3A_213, %add3A_87 : i32
        %convert_element_type3A_215 = arith.extui %lt3A_214 : i1 to i32
        %cond3A_216 = arith.constant 0 : i32
        %cond3A_217 = arith.cmpi ne, %convert_element_type3A_215, %cond3A_216 : i32
        scf.if %cond3A_217 {
          %min3A_260 = arith.constant 127 : i32
          %min3A_261 = arith.minsi %add3A_213, %min3A_260 : i32
          %get3A_262 = arith.index_cast %min3A_261 : i32 to index
          %get3A_263 = memref.load %arg4[%get3A_262] : memref<128xi32, #tpu.memory_space<smem>>
          %slice3A = vector.extract_strided_slice %add3A_211 {offsets = [0, 0], sizes = [8, 1024], strides = [1, 1]} : vector<64x1024xf32> to vector<8x1024xf32>
          %swap3A_264 = arith.index_cast %get3A_263 : i32 to index
          %swap3A_265 = arith.constant 0 : index
          %swap3A_266 = arith.constant 0 : index
          %swap3A_267 = vector.load %arg8[%swap3A_264, %swap3A_265, %swap3A_266] : memref<128x8x1024xf32, #tpu.memory_space<vmem>>, vector<1x8x1024xf32>
          %swap3A_268 = vector.shape_cast %swap3A_267 : vector<1x8x1024xf32> to vector<8x1024xf32>
          %swap3A_269 = vector.shape_cast %slice3A : vector<8x1024xf32> to vector<1x8x1024xf32>
          tpu.vector_store %arg8[%swap3A_264, %swap3A_265, %swap3A_266], %swap3A_269 {strides = array<i32>} : memref<128x8x1024xf32, #tpu.memory_space<vmem>>, vector<1x8x1024xf32>,
        } else {
        }
        %add3A_218 = arith.constant 1 : i32
        %add3A_219 = arith.addi %add3A_86, %add3A_218 : i32
        %lt3A_220 = arith.cmpi slt, %add3A_219, %add3A_87 : i32
        %convert_element_type3A_221 = arith.extui %lt3A_220 : i1 to i32
        %cond3A_222 = arith.constant 0 : i32
        %cond3A_223 = arith.cmpi ne, %convert_element_type3A_221, %cond3A_222 : i32
        scf.if %cond3A_223 {
          %min3A_260 = arith.constant 127 : i32
          %min3A_261 = arith.minsi %add3A_219, %min3A_260 : i32
          %get3A_262 = arith.index_cast %min3A_261 : i32 to index
          %get3A_263 = memref.load %arg4[%get3A_262] : memref<128xi32, #tpu.memory_space<smem>>
          %slice3A = vector.extract_strided_slice %add3A_211 {offsets = [8, 0], sizes = [8, 1024], strides = [1, 1]} : vector<64x1024xf32> to vector<8x1024xf32>
          %swap3A_264 = arith.index_cast %get3A_263 : i32 to index
          %swap3A_265 = arith.constant 0 : index
          %swap3A_266 = arith.constant 0 : index
          %swap3A_267 = vector.load %arg8[%swap3A_264, %swap3A_265, %swap3A_266] : memref<128x8x1024xf32, #tpu.memory_space<vmem>>, vector<1x8x1024xf32>
          %swap3A_268 = vector.shape_cast %swap3A_267 : vector<1x8x1024xf32> to vector<8x1024xf32>
          %swap3A_269 = vector.shape_cast %slice3A : vector<8x1024xf32> to vector<1x8x1024xf32>
          tpu.vector_store %arg8[%swap3A_264, %swap3A_265, %swap3A_266], %swap3A_269 {strides = array<i32>} : memref<128x8x1024xf32, #tpu.memory_space<vmem>>, vector<1x8x1024xf32>,
        } else {
        }
        %add3A_224 = arith.constant 2 : i32
        %add3A_225 = arith.addi %add3A_86, %add3A_224 : i32
        %lt3A_226 = arith.cmpi slt, %add3A_225, %add3A_87 : i32
        %convert_element_type3A_227 = arith.extui %lt3A_226 : i1 to i32
        %cond3A_228 = arith.constant 0 : i32
        %cond3A_229 = arith.cmpi ne, %convert_element_type3A_227, %cond3A_228 : i32
        scf.if %cond3A_229 {
          %min3A_260 = arith.constant 127 : i32
          %min3A_261 = arith.minsi %add3A_225, %min3A_260 : i32
          %get3A_262 = arith.index_cast %min3A_261 : i32 to index
          %get3A_263 = memref.load %arg4[%get3A_262] : memref<128xi32, #tpu.memory_space<smem>>
          %slice3A = vector.extract_strided_slice %add3A_211 {offsets = [16, 0], sizes = [8, 1024], strides = [1, 1]} : vector<64x1024xf32> to vector<8x1024xf32>
          %swap3A_264 = arith.index_cast %get3A_263 : i32 to index
          %swap3A_265 = arith.constant 0 : index
          %swap3A_266 = arith.constant 0 : index
          %swap3A_267 = vector.load %arg8[%swap3A_264, %swap3A_265, %swap3A_266] : memref<128x8x1024xf32, #tpu.memory_space<vmem>>, vector<1x8x1024xf32>
          %swap3A_268 = vector.shape_cast %swap3A_267 : vector<1x8x1024xf32> to vector<8x1024xf32>
          %swap3A_269 = vector.shape_cast %slice3A : vector<8x1024xf32> to vector<1x8x1024xf32>
          tpu.vector_store %arg8[%swap3A_264, %swap3A_265, %swap3A_266], %swap3A_269 {strides = array<i32>} : memref<128x8x1024xf32, #tpu.memory_space<vmem>>, vector<1x8x1024xf32>,
        } else {
        }
        %add3A_230 = arith.constant 3 : i32
        %add3A_231 = arith.addi %add3A_86, %add3A_230 : i32
        %lt3A_232 = arith.cmpi slt, %add3A_231, %add3A_87 : i32
        %convert_element_type3A_233 = arith.extui %lt3A_232 : i1 to i32
        %cond3A_234 = arith.constant 0 : i32
        %cond3A_235 = arith.cmpi ne, %convert_element_type3A_233, %cond3A_234 : i32
        scf.if %cond3A_235 {
          %min3A_260 = arith.constant 127 : i32
          %min3A_261 = arith.minsi %add3A_231, %min3A_260 : i32
          %get3A_262 = arith.index_cast %min3A_261 : i32 to index
          %get3A_263 = memref.load %arg4[%get3A_262] : memref<128xi32, #tpu.memory_space<smem>>
          %slice3A = vector.extract_strided_slice %add3A_211 {offsets = [24, 0], sizes = [8, 1024], strides = [1, 1]} : vector<64x1024xf32> to vector<8x1024xf32>
          %swap3A_264 = arith.index_cast %get3A_263 : i32 to index
          %swap3A_265 = arith.constant 0 : index
          %swap3A_266 = arith.constant 0 : index
          %swap3A_267 = vector.load %arg8[%swap3A_264, %swap3A_265, %swap3A_266] : memref<128x8x1024xf32, #tpu.memory_space<vmem>>, vector<1x8x1024xf32>
          %swap3A_268 = vector.shape_cast %swap3A_267 : vector<1x8x1024xf32> to vector<8x1024xf32>
          %swap3A_269 = vector.shape_cast %slice3A : vector<8x1024xf32> to vector<1x8x1024xf32>
          tpu.vector_store %arg8[%swap3A_264, %swap3A_265, %swap3A_266], %swap3A_269 {strides = array<i32>} : memref<128x8x1024xf32, #tpu.memory_space<vmem>>, vector<1x8x1024xf32>,
        } else {
        }
        %add3A_236 = arith.constant 4 : i32
        %add3A_237 = arith.addi %add3A_86, %add3A_236 : i32
        %lt3A_238 = arith.cmpi slt, %add3A_237, %add3A_87 : i32
        %convert_element_type3A_239 = arith.extui %lt3A_238 : i1 to i32
        %cond3A_240 = arith.constant 0 : i32
        %cond3A_241 = arith.cmpi ne, %convert_element_type3A_239, %cond3A_240 : i32
        scf.if %cond3A_241 {
          %min3A_260 = arith.constant 127 : i32
          %min3A_261 = arith.minsi %add3A_237, %min3A_260 : i32
          %get3A_262 = arith.index_cast %min3A_261 : i32 to index
          %get3A_263 = memref.load %arg4[%get3A_262] : memref<128xi32, #tpu.memory_space<smem>>
          %slice3A = vector.extract_strided_slice %add3A_211 {offsets = [32, 0], sizes = [8, 1024], strides = [1, 1]} : vector<64x1024xf32> to vector<8x1024xf32>
          %swap3A_264 = arith.index_cast %get3A_263 : i32 to index
          %swap3A_265 = arith.constant 0 : index
          %swap3A_266 = arith.constant 0 : index
          %swap3A_267 = vector.load %arg8[%swap3A_264, %swap3A_265, %swap3A_266] : memref<128x8x1024xf32, #tpu.memory_space<vmem>>, vector<1x8x1024xf32>
          %swap3A_268 = vector.shape_cast %swap3A_267 : vector<1x8x1024xf32> to vector<8x1024xf32>
          %swap3A_269 = vector.shape_cast %slice3A : vector<8x1024xf32> to vector<1x8x1024xf32>
          tpu.vector_store %arg8[%swap3A_264, %swap3A_265, %swap3A_266], %swap3A_269 {strides = array<i32>} : memref<128x8x1024xf32, #tpu.memory_space<vmem>>, vector<1x8x1024xf32>,
        } else {
        }
        %add3A_242 = arith.constant 5 : i32
        %add3A_243 = arith.addi %add3A_86, %add3A_242 : i32
        %lt3A_244 = arith.cmpi slt, %add3A_243, %add3A_87 : i32
        %convert_element_type3A_245 = arith.extui %lt3A_244 : i1 to i32
        %cond3A_246 = arith.constant 0 : i32
        %cond3A_247 = arith.cmpi ne, %convert_element_type3A_245, %cond3A_246 : i32
        scf.if %cond3A_247 {
          %min3A_260 = arith.constant 127 : i32
          %min3A_261 = arith.minsi %add3A_243, %min3A_260 : i32
          %get3A_262 = arith.index_cast %min3A_261 : i32 to index
          %get3A_263 = memref.load %arg4[%get3A_262] : memref<128xi32, #tpu.memory_space<smem>>
          %slice3A = vector.extract_strided_slice %add3A_211 {offsets = [40, 0], sizes = [8, 1024], strides = [1, 1]} : vector<64x1024xf32> to vector<8x1024xf32>
          %swap3A_264 = arith.index_cast %get3A_263 : i32 to index
          %swap3A_265 = arith.constant 0 : index
          %swap3A_266 = arith.constant 0 : index
          %swap3A_267 = vector.load %arg8[%swap3A_264, %swap3A_265, %swap3A_266] : memref<128x8x1024xf32, #tpu.memory_space<vmem>>, vector<1x8x1024xf32>
          %swap3A_268 = vector.shape_cast %swap3A_267 : vector<1x8x1024xf32> to vector<8x1024xf32>
          %swap3A_269 = vector.shape_cast %slice3A : vector<8x1024xf32> to vector<1x8x1024xf32>
          tpu.vector_store %arg8[%swap3A_264, %swap3A_265, %swap3A_266], %swap3A_269 {strides = array<i32>} : memref<128x8x1024xf32, #tpu.memory_space<vmem>>, vector<1x8x1024xf32>,
        } else {
        }
        %add3A_248 = arith.constant 6 : i32
        %add3A_249 = arith.addi %add3A_86, %add3A_248 : i32
        %lt3A_250 = arith.cmpi slt, %add3A_249, %add3A_87 : i32
        %convert_element_type3A_251 = arith.extui %lt3A_250 : i1 to i32
        %cond3A_252 = arith.constant 0 : i32
        %cond3A_253 = arith.cmpi ne, %convert_element_type3A_251, %cond3A_252 : i32
        scf.if %cond3A_253 {
          %min3A_260 = arith.constant 127 : i32
          %min3A_261 = arith.minsi %add3A_249, %min3A_260 : i32
          %get3A_262 = arith.index_cast %min3A_261 : i32 to index
          %get3A_263 = memref.load %arg4[%get3A_262] : memref<128xi32, #tpu.memory_space<smem>>
          %slice3A = vector.extract_strided_slice %add3A_211 {offsets = [48, 0], sizes = [8, 1024], strides = [1, 1]} : vector<64x1024xf32> to vector<8x1024xf32>
          %swap3A_264 = arith.index_cast %get3A_263 : i32 to index
          %swap3A_265 = arith.constant 0 : index
          %swap3A_266 = arith.constant 0 : index
          %swap3A_267 = vector.load %arg8[%swap3A_264, %swap3A_265, %swap3A_266] : memref<128x8x1024xf32, #tpu.memory_space<vmem>>, vector<1x8x1024xf32>
          %swap3A_268 = vector.shape_cast %swap3A_267 : vector<1x8x1024xf32> to vector<8x1024xf32>
          %swap3A_269 = vector.shape_cast %slice3A : vector<8x1024xf32> to vector<1x8x1024xf32>
          tpu.vector_store %arg8[%swap3A_264, %swap3A_265, %swap3A_266], %swap3A_269 {strides = array<i32>} : memref<128x8x1024xf32, #tpu.memory_space<vmem>>, vector<1x8x1024xf32>,
        } else {
        }
        %add3A_254 = arith.constant 7 : i32
        %add3A_255 = arith.addi %add3A_86, %add3A_254 : i32
        %lt3A_256 = arith.cmpi slt, %add3A_255, %add3A_87 : i32
        %convert_element_type3A_257 = arith.extui %lt3A_256 : i1 to i32
        %cond3A_258 = arith.constant 0 : i32
        %cond3A_259 = arith.cmpi ne, %convert_element_type3A_257, %cond3A_258 : i32
        scf.if %cond3A_259 {
          %min3A_260 = arith.constant 127 : i32
          %min3A_261 = arith.minsi %add3A_255, %min3A_260 : i32
          %get3A_262 = arith.index_cast %min3A_261 : i32 to index
          %get3A_263 = memref.load %arg4[%get3A_262] : memref<128xi32, #tpu.memory_space<smem>>
          %slice3A = vector.extract_strided_slice %add3A_211 {offsets = [56, 0], sizes = [8, 1024], strides = [1, 1]} : vector<64x1024xf32> to vector<8x1024xf32>
          %swap3A_264 = arith.index_cast %get3A_263 : i32 to index
          %swap3A_265 = arith.constant 0 : index
          %swap3A_266 = arith.constant 0 : index
          %swap3A_267 = vector.load %arg8[%swap3A_264, %swap3A_265, %swap3A_266] : memref<128x8x1024xf32, #tpu.memory_space<vmem>>, vector<1x8x1024xf32>
          %swap3A_268 = vector.shape_cast %swap3A_267 : vector<1x8x1024xf32> to vector<8x1024xf32>
          %swap3A_269 = vector.shape_cast %slice3A : vector<8x1024xf32> to vector<1x8x1024xf32>
          tpu.vector_store %arg8[%swap3A_264, %swap3A_265, %swap3A_266], %swap3A_269 {strides = array<i32>} : memref<128x8x1024xf32, #tpu.memory_space<vmem>>, vector<1x8x1024xf32>,
        } else {
        }
      }
    }
    %while3A_25 = arith.constant 1 : i32
    scf.for %while3A_26 = %while3A_23 to %while3A_19 step %while3A_25  : i32 {
      %rem3A_27 = arith.constant 4 : i32
      %rem3A_28 = arith.remsi %while3A_26, %rem3A_27 : i32
      %add3A = arith.constant 2 : i32
      %add3A_29 = arith.addi %while3A_26, %add3A : i32
      %lt3A = arith.cmpi slt, %add3A_29, %get3A_0 : i32
      %convert_element_type3A_30 = arith.extui %lt3A : i1 to i32
      %cond3A_31 = arith.constant 0 : i32
      %cond3A_32 = arith.cmpi ne, %convert_element_type3A_30, %cond3A_31 : i32
      scf.if %cond3A_32 {
        %add3A_84 = arith.constant 2 : i32
        %add3A_85 = arith.addi %while3A_26, %add3A_84 : i32
        %rem3A_86 = arith.constant 4 : i32
        %rem3A_87 = arith.remsi %add3A_85, %rem3A_86 : i32
        %get3A_88 = arith.index_cast %add3A_85 : i32 to index
        %get3A_89 = memref.load %arg1[%get3A_88] : memref<64xi32, #tpu.memory_space<smem>>
        %dma_start3A_90 = arith.constant 0 : i32
        %dma_start3A_91 = tpu.memref_slice %arg11[%rem3A_87, %dma_start3A_90] : memref<4x1x!tpu.dma_semaphore, #tpu.memory_space<semaphore_mem>> -> memref<1x1x!tpu.dma_semaphore, #tpu.memory_space<semaphore_mem>>
        %dma_start3A_92 = tpu.memref_squeeze %dma_start3A_91 : memref<1x1x!tpu.dma_semaphore, #tpu.memory_space<semaphore_mem>> -> memref<!tpu.dma_semaphore, #tpu.memory_space<semaphore_mem>>
        %dma_start3A_93 = arith.constant 0 : i32
        %dma_start3A_94 = arith.constant 0 : i32
        %dma_start3A_95 = tpu.memref_slice %arg9[%rem3A_87, %dma_start3A_93, %dma_start3A_94] : memref<4x1024x1024xf32, #tpu.memory_space<vmem>> -> memref<1x1024x1024xf32, #tpu.memory_space<vmem>>
        %dma_start3A_96 = tpu.memref_squeeze %dma_start3A_95 : memref<1x1024x1024xf32, #tpu.memory_space<vmem>> -> memref<1024x1024xf32, #tpu.memory_space<vmem>>
        %dma_start3A_97 = arith.constant 0 : i32
        %dma_start3A_98 = arith.constant 0 : i32
        %dma_start3A_99 = tpu.memref_slice %arg6[%get3A_89, %dma_start3A_97, %dma_start3A_98] : memref<64x1024x1024xf32, #tpu.memory_space<any>> -> memref<1x1024x1024xf32, #tpu.memory_space<any>>
        %dma_start3A_100 = tpu.memref_squeeze %dma_start3A_99 : memref<1x1024x1024xf32, #tpu.memory_space<any>> -> memref<1024x1024xf32, #tpu.memory_space<any>>
        tpu.enqueue_dma source(%dma_start3A_100 : memref<1024x1024xf32, #tpu.memory_space<any>>) target(%dma_start3A_96 : memref<1024x1024xf32, #tpu.memory_space<vmem>>) target_semaphore(%dma_start3A_92 : memref<!tpu.dma_semaphore, #tpu.memory_space<semaphore_mem>>)
      } else {
      }
      %rem3A_33 = arith.constant 4 : i32
      %rem3A_34 = arith.remsi %while3A_26, %rem3A_33 : i32
      %get3A_35 = arith.index_cast %while3A_26 : i32 to index
      %get3A_36 = memref.load %arg1[%get3A_35] : memref<64xi32, #tpu.memory_space<smem>>
      %dma_wait3A = arith.constant 0 : i32
      %dma_wait3A_37 = tpu.memref_slice %arg11[%rem3A_34, %dma_wait3A] : memref<4x1x!tpu.dma_semaphore, #tpu.memory_space<semaphore_mem>> -> memref<1x1x!tpu.dma_semaphore, #tpu.memory_space<semaphore_mem>>
      %dma_wait3A_38 = tpu.memref_squeeze %dma_wait3A_37 : memref<1x1x!tpu.dma_semaphore, #tpu.memory_space<semaphore_mem>> -> memref<!tpu.dma_semaphore, #tpu.memory_space<semaphore_mem>>
      %dma_wait3A_39 = arith.constant 0 : i32
      %dma_wait3A_40 = arith.constant 0 : i32
      %dma_wait3A_41 = tpu.memref_slice %arg9[%rem3A_34, %dma_wait3A_39, %dma_wait3A_40] : memref<4x1024x1024xf32, #tpu.memory_space<vmem>> -> memref<1x1024x1024xf32, #tpu.memory_space<vmem>>
      %dma_wait3A_42 = tpu.memref_squeeze %dma_wait3A_41 : memref<1x1024x1024xf32, #tpu.memory_space<vmem>> -> memref<1024x1024xf32, #tpu.memory_space<vmem>>
      %dma_wait3A_43 = arith.constant 0 : i32
      %dma_wait3A_44 = arith.constant 0 : i32
      %dma_wait3A_45 = tpu.memref_slice %arg6[%get3A_36, %dma_wait3A_43, %dma_wait3A_44] : memref<64x1024x1024xf32, #tpu.memory_space<any>> -> memref<1x1024x1024xf32, #tpu.memory_space<any>>
      %dma_wait3A_46 = tpu.memref_squeeze %dma_wait3A_45 : memref<1x1024x1024xf32, #tpu.memory_space<any>> -> memref<1024x1024xf32, #tpu.memory_space<any>>
      tpu.wait_dma2 semaphore(%dma_wait3A_38 : memref<!tpu.dma_semaphore, #tpu.memory_space<semaphore_mem>>) src(%dma_wait3A_46 : memref<1024x1024xf32, #tpu.memory_space<any>>) dst(%dma_wait3A_42 : memref<1024x1024xf32, #tpu.memory_space<vmem>>)
      %get3A_47 = arith.index_cast %while3A_26 : i32 to index
      %get3A_48 = memref.load %arg1[%get3A_47] : memref<64xi32, #tpu.memory_space<smem>>
      %get3A_49 = arith.index_cast %while3A_26 : i32 to index
      %get3A_50 = memref.load %arg3[%get3A_49] : memref<64xi32, #tpu.memory_space<smem>>
      %get3A_51 = arith.index_cast %while3A_26 : i32 to index
      %get3A_52 = memref.load %arg2[%get3A_51] : memref<64xi32, #tpu.memory_space<smem>>
      %add3A_53 = arith.constant 8 : i32
      %add3A_54 = arith.addi %get3A_50, %add3A_53 : i32
      %sub3A = arith.constant 1 : i32
      %sub3A_55 = arith.subi %add3A_54, %sub3A : i32
      %jit3A = arith.constant 8 : i32
      %div3A = arith.divsi %sub3A_55, %jit3A : i32
      %sign3A = arith.constant 0 : i32
      %sign3A_56 = arith.cmpi sgt, %sub3A_55, %sign3A : i32
      %sign3A_57 = arith.extui %sign3A_56 : i1 to i32
      %sign3A_58 = arith.constant 0 : i32
      %sign3A_59 = arith.cmpi slt, %sub3A_55, %sign3A_58 : i32
      %sign3A_60 = arith.extui %sign3A_59 : i1 to i32
      %sign3A_61 = arith.subi %sign3A_57, %sign3A_60 : i32
      %sign3A_62 = arith.constant 0 : i32
      %sign3A_63 = arith.cmpi sgt, %jit3A, %sign3A_62 : i32
      %sign3A_64 = arith.extui %sign3A_63 : i1 to i32
      %sign3A_65 = arith.constant 0 : i32
      %sign3A_66 = arith.cmpi slt, %jit3A, %sign3A_65 : i32
      %sign3A_67 = arith.extui %sign3A_66 : i1 to i32
      %sign3A_68 = arith.subi %sign3A_64, %sign3A_67 : i32
      %ne3A = arith.cmpi ne, %sign3A_61, %sign3A_68 : i32
      %rem3A_69 = arith.remsi %sub3A_55, %jit3A : i32
      %ne3A_70 = arith.constant 0 : i32
      %ne3A_71 = arith.cmpi ne, %rem3A_69, %ne3A_70 : i32
      %and3A = arith.andi %ne3A, %ne3A_71 : i1
      %sub3A_72 = arith.constant 1 : i32
      %sub3A_73 = arith.subi %div3A, %sub3A_72 : i32
      %select_n3A = arith.select %and3A, %sub3A_73, %div3A : i32
      %while3A_74 = arith.constant 0 : i32
      %while3A_75 = arith.constant 0 : i32
      %while3A_76 = arith.subi %select_n3A, %while3A_75 : i32
      %while3A_77 = arith.addi %while3A_75, %while3A_76 : i32
      %while3A_78 = arith.constant 1 : i32
      %while3A_79 = arith.divsi %while3A_76, %while3A_78 : i32
      %while3A_80 = arith.muli %while3A_79, %while3A_78 : i32
      %while3A_81 = arith.addi %while3A_75, %while3A_80 : i32
      %while3A_82 = arith.constant 1 : i32
      scf.for %while3A_84 = %while3A_75 to %while3A_81 step %while3A_82  : i32 {
        %mul3A = arith.constant 8 : i32
        %mul3A_85 = arith.muli %while3A_84, %mul3A : i32
        %add3A_86 = arith.addi %get3A_52, %mul3A_85 : i32
        %add3A_87 = arith.addi %get3A_52, %get3A_50 : i32
        %add3A_88 = arith.constant 0 : i32
        %add3A_89 = arith.addi %add3A_86, %add3A_88 : i32
        %min3A = arith.constant 127 : i32
        %min3A_90 = arith.minsi %add3A_89, %min3A : i32
        %get3A_91 = arith.index_cast %min3A_90 : i32 to index
        %get3A_92 = memref.load %arg4[%get3A_91] : memref<128xi32, #tpu.memory_space<smem>>
        %get3A_93 = arith.index_cast %get3A_92 : i32 to index
        %get3A_94 = arith.constant 0 : index
        %get3A_95 = arith.constant 0 : index
        %get3A_96 = vector.load %arg5[%get3A_93, %get3A_94, %get3A_95] : memref<128x8x1024xf32, #tpu.memory_space<vmem>>, vector<1x8x1024xf32>
        %get3A_97 = vector.shape_cast %get3A_96 : vector<1x8x1024xf32> to vector<8x1024xf32>
        %swap3A = arith.constant 0 : index
        %swap3A_98 = arith.constant 0 : index
        %swap3A_99 = vector.load %arg10[%swap3A, %swap3A_98] : memref<64x1024xf32, #tpu.memory_space<vmem>>, vector<8x1024xf32>
        tpu.vector_store %arg10[%swap3A, %swap3A_98], %get3A_97 {strides = array<i32>} : memref<64x1024xf32, #tpu.memory_space<vmem>>, vector<8x1024xf32>,
        %add3A_100 = arith.constant 1 : i32
        %add3A_101 = arith.addi %add3A_86, %add3A_100 : i32
        %min3A_102 = arith.constant 127 : i32
        %min3A_103 = arith.minsi %add3A_101, %min3A_102 : i32
        %get3A_104 = arith.index_cast %min3A_103 : i32 to index
        %get3A_105 = memref.load %arg4[%get3A_104] : memref<128xi32, #tpu.memory_space<smem>>
        %get3A_106 = arith.index_cast %get3A_105 : i32 to index
        %get3A_107 = arith.constant 0 : index
        %get3A_108 = arith.constant 0 : index
        %get3A_109 = vector.load %arg5[%get3A_106, %get3A_107, %get3A_108] : memref<128x8x1024xf32, #tpu.memory_space<vmem>>, vector<1x8x1024xf32>
        %get3A_110 = vector.shape_cast %get3A_109 : vector<1x8x1024xf32> to vector<8x1024xf32>
        %swap3A_111 = arith.constant 8 : index
        %swap3A_112 = arith.constant 0 : index
        %swap3A_113 = vector.load %arg10[%swap3A_111, %swap3A_112] : memref<64x1024xf32, #tpu.memory_space<vmem>>, vector<8x1024xf32>
        tpu.vector_store %arg10[%swap3A_111, %swap3A_112], %get3A_110 {strides = array<i32>} : memref<64x1024xf32, #tpu.memory_space<vmem>>, vector<8x1024xf32>,
        %add3A_114 = arith.constant 2 : i32
        %add3A_115 = arith.addi %add3A_86, %add3A_114 : i32
        %min3A_116 = arith.constant 127 : i32
        %min3A_117 = arith.minsi %add3A_115, %min3A_116 : i32
        %get3A_118 = arith.index_cast %min3A_117 : i32 to index
        %get3A_119 = memref.load %arg4[%get3A_118] : memref<128xi32, #tpu.memory_space<smem>>
        %get3A_120 = arith.index_cast %get3A_119 : i32 to index
        %get3A_121 = arith.constant 0 : index
        %get3A_122 = arith.constant 0 : index
        %get3A_123 = vector.load %arg5[%get3A_120, %get3A_121, %get3A_122] : memref<128x8x1024xf32, #tpu.memory_space<vmem>>, vector<1x8x1024xf32>
        %get3A_124 = vector.shape_cast %get3A_123 : vector<1x8x1024xf32> to vector<8x1024xf32>
        %swap3A_125 = arith.constant 16 : index
        %swap3A_126 = arith.constant 0 : index
        %swap3A_127 = vector.load %arg10[%swap3A_125, %swap3A_126] : memref<64x1024xf32, #tpu.memory_space<vmem>>, vector<8x1024xf32>
        tpu.vector_store %arg10[%swap3A_125, %swap3A_126], %get3A_124 {strides = array<i32>} : memref<64x1024xf32, #tpu.memory_space<vmem>>, vector<8x1024xf32>,
        %add3A_128 = arith.constant 3 : i32
        %add3A_129 = arith.addi %add3A_86, %add3A_128 : i32
        %min3A_130 = arith.constant 127 : i32
        %min3A_131 = arith.minsi %add3A_129, %min3A_130 : i32
        %get3A_132 = arith.index_cast %min3A_131 : i32 to index
        %get3A_133 = memref.load %arg4[%get3A_132] : memref<128xi32, #tpu.memory_space<smem>>
        %get3A_134 = arith.index_cast %get3A_133 : i32 to index
        %get3A_135 = arith.constant 0 : index
        %get3A_136 = arith.constant 0 : index
        %get3A_137 = vector.load %arg5[%get3A_134, %get3A_135, %get3A_136] : memref<128x8x1024xf32, #tpu.memory_space<vmem>>, vector<1x8x1024xf32>
        %get3A_138 = vector.shape_cast %get3A_137 : vector<1x8x1024xf32> to vector<8x1024xf32>
        %swap3A_139 = arith.constant 24 : index
        %swap3A_140 = arith.constant 0 : index
        %swap3A_141 = vector.load %arg10[%swap3A_139, %swap3A_140] : memref<64x1024xf32, #tpu.memory_space<vmem>>, vector<8x1024xf32>
        tpu.vector_store %arg10[%swap3A_139, %swap3A_140], %get3A_138 {strides = array<i32>} : memref<64x1024xf32, #tpu.memory_space<vmem>>, vector<8x1024xf32>,
        %add3A_142 = arith.constant 4 : i32
        %add3A_143 = arith.addi %add3A_86, %add3A_142 : i32
        %min3A_144 = arith.constant 127 : i32
        %min3A_145 = arith.minsi %add3A_143, %min3A_144 : i32
        %get3A_146 = arith.index_cast %min3A_145 : i32 to index
        %get3A_147 = memref.load %arg4[%get3A_146] : memref<128xi32, #tpu.memory_space<smem>>
        %get3A_148 = arith.index_cast %get3A_147 : i32 to index
        %get3A_149 = arith.constant 0 : index
        %get3A_150 = arith.constant 0 : index
        %get3A_151 = vector.load %arg5[%get3A_148, %get3A_149, %get3A_150] : memref<128x8x1024xf32, #tpu.memory_space<vmem>>, vector<1x8x1024xf32>
        %get3A_152 = vector.shape_cast %get3A_151 : vector<1x8x1024xf32> to vector<8x1024xf32>
        %swap3A_153 = arith.constant 32 : index
        %swap3A_154 = arith.constant 0 : index
        %swap3A_155 = vector.load %arg10[%swap3A_153, %swap3A_154] : memref<64x1024xf32, #tpu.memory_space<vmem>>, vector<8x1024xf32>
        tpu.vector_store %arg10[%swap3A_153, %swap3A_154], %get3A_152 {strides = array<i32>} : memref<64x1024xf32, #tpu.memory_space<vmem>>, vector<8x1024xf32>,
        %add3A_156 = arith.constant 5 : i32
        %add3A_157 = arith.addi %add3A_86, %add3A_156 : i32
        %min3A_158 = arith.constant 127 : i32
        %min3A_159 = arith.minsi %add3A_157, %min3A_158 : i32
        %get3A_160 = arith.index_cast %min3A_159 : i32 to index
        %get3A_161 = memref.load %arg4[%get3A_160] : memref<128xi32, #tpu.memory_space<smem>>
        %get3A_162 = arith.index_cast %get3A_161 : i32 to index
        %get3A_163 = arith.constant 0 : index
        %get3A_164 = arith.constant 0 : index
        %get3A_165 = vector.load %arg5[%get3A_162, %get3A_163, %get3A_164] : memref<128x8x1024xf32, #tpu.memory_space<vmem>>, vector<1x8x1024xf32>
        %get3A_166 = vector.shape_cast %get3A_165 : vector<1x8x1024xf32> to vector<8x1024xf32>
        %swap3A_167 = arith.constant 40 : index
        %swap3A_168 = arith.constant 0 : index
        %swap3A_169 = vector.load %arg10[%swap3A_167, %swap3A_168] : memref<64x1024xf32, #tpu.memory_space<vmem>>, vector<8x1024xf32>
        tpu.vector_store %arg10[%swap3A_167, %swap3A_168], %get3A_166 {strides = array<i32>} : memref<64x1024xf32, #tpu.memory_space<vmem>>, vector<8x1024xf32>,
        %add3A_170 = arith.constant 6 : i32
        %add3A_171 = arith.addi %add3A_86, %add3A_170 : i32
        %min3A_172 = arith.constant 127 : i32
        %min3A_173 = arith.minsi %add3A_171, %min3A_172 : i32
        %get3A_174 = arith.index_cast %min3A_173 : i32 to index
        %get3A_175 = memref.load %arg4[%get3A_174] : memref<128xi32, #tpu.memory_space<smem>>
        %get3A_176 = arith.index_cast %get3A_175 : i32 to index
        %get3A_177 = arith.constant 0 : index
        %get3A_178 = arith.constant 0 : index
        %get3A_179 = vector.load %arg5[%get3A_176, %get3A_177, %get3A_178] : memref<128x8x1024xf32, #tpu.memory_space<vmem>>, vector<1x8x1024xf32>
        %get3A_180 = vector.shape_cast %get3A_179 : vector<1x8x1024xf32> to vector<8x1024xf32>
        %swap3A_181 = arith.constant 48 : index
        %swap3A_182 = arith.constant 0 : index
        %swap3A_183 = vector.load %arg10[%swap3A_181, %swap3A_182] : memref<64x1024xf32, #tpu.memory_space<vmem>>, vector<8x1024xf32>
        tpu.vector_store %arg10[%swap3A_181, %swap3A_182], %get3A_180 {strides = array<i32>} : memref<64x1024xf32, #tpu.memory_space<vmem>>, vector<8x1024xf32>,
        %add3A_184 = arith.constant 7 : i32
        %add3A_185 = arith.addi %add3A_86, %add3A_184 : i32
        %min3A_186 = arith.constant 127 : i32
        %min3A_187 = arith.minsi %add3A_185, %min3A_186 : i32
        %get3A_188 = arith.index_cast %min3A_187 : i32 to index
        %get3A_189 = memref.load %arg4[%get3A_188] : memref<128xi32, #tpu.memory_space<smem>>
        %get3A_190 = arith.index_cast %get3A_189 : i32 to index
        %get3A_191 = arith.constant 0 : index
        %get3A_192 = arith.constant 0 : index
        %get3A_193 = vector.load %arg5[%get3A_190, %get3A_191, %get3A_192] : memref<128x8x1024xf32, #tpu.memory_space<vmem>>, vector<1x8x1024xf32>
        %get3A_194 = vector.shape_cast %get3A_193 : vector<1x8x1024xf32> to vector<8x1024xf32>
        %swap3A_195 = arith.constant 56 : index
        %swap3A_196 = arith.constant 0 : index
        %swap3A_197 = vector.load %arg10[%swap3A_195, %swap3A_196] : memref<64x1024xf32, #tpu.memory_space<vmem>>, vector<8x1024xf32>
        tpu.vector_store %arg10[%swap3A_195, %swap3A_196], %get3A_194 {strides = array<i32>} : memref<64x1024xf32, #tpu.memory_space<vmem>>, vector<8x1024xf32>,
        %get3A_198 = arith.constant 0 : index
        %get3A_199 = arith.constant 0 : index
        %get3A_200 = vector.load %arg10[%get3A_198, %get3A_199] : memref<64x1024xf32, #tpu.memory_space<vmem>>, vector<64x1024xf32>
        %get3A_201 = arith.index_cast %rem3A_28 : i32 to index
        %get3A_202 = arith.constant 0 : index
        %get3A_203 = arith.constant 0 : index
        %get3A_204 = vector.load %arg9[%get3A_201, %get3A_202, %get3A_203] : memref<4x1024x1024xf32, #tpu.memory_space<vmem>>, vector<1x1024x1024xf32>
        %get3A_205 = vector.shape_cast %get3A_204 : vector<1x1024x1024xf32> to vector<1024x1024xf32>
        %dot_general3A = arith.constant dense<0.000000e+00> : vector<64x1024xf32>
        %dot_general3A_206 = tpu.matmul %get3A_200, %get3A_205, %dot_general3A {dimension_numbers = #tpu.dot_dimension_numbers<[1], [1], [0], [0], [0, 0, 1, 0], [], []>, transpose_lhs_hint = false} : vector<64x1024xf32>, vector<1024x1024xf32>, vector<64x1024xf32> -> vector<64x1024xf32>
        %get3A_207 = arith.index_cast %get3A_48 : i32 to index
        %get3A_208 = arith.constant 0 : index
        %get3A_209 = vector.load %arg7[%get3A_207, %get3A_208] : memref<64x1024xf32, #tpu.memory_space<vmem>>, vector<1x1024xf32>
        %add3A_210 = vector.broadcast %get3A_209 : vector<1x1024xf32> to vector<64x1024xf32>
        %add3A_211 = arith.addf %dot_general3A_206, %add3A_210 : vector<64x1024xf32>
        %add3A_212 = arith.constant 0 : i32
        %add3A_213 = arith.addi %add3A_86, %add3A_212 : i32
        %lt3A_214 = arith.cmpi slt, %add3A_213, %add3A_87 : i32
        %convert_element_type3A_215 = arith.extui %lt3A_214 : i1 to i32
        %cond3A_216 = arith.constant 0 : i32
        %cond3A_217 = arith.cmpi ne, %convert_element_type3A_215, %cond3A_216 : i32
        scf.if %cond3A_217 {
          %min3A_260 = arith.constant 127 : i32
          %min3A_261 = arith.minsi %add3A_213, %min3A_260 : i32
          %get3A_262 = arith.index_cast %min3A_261 : i32 to index
          %get3A_263 = memref.load %arg4[%get3A_262] : memref<128xi32, #tpu.memory_space<smem>>
          %slice3A = vector.extract_strided_slice %add3A_211 {offsets = [0, 0], sizes = [8, 1024], strides = [1, 1]} : vector<64x1024xf32> to vector<8x1024xf32>
          %swap3A_264 = arith.index_cast %get3A_263 : i32 to index
          %swap3A_265 = arith.constant 0 : index
          %swap3A_266 = arith.constant 0 : index
          %swap3A_267 = vector.load %arg8[%swap3A_264, %swap3A_265, %swap3A_266] : memref<128x8x1024xf32, #tpu.memory_space<vmem>>, vector<1x8x1024xf32>
          %swap3A_268 = vector.shape_cast %swap3A_267 : vector<1x8x1024xf32> to vector<8x1024xf32>
          %swap3A_269 = vector.shape_cast %slice3A : vector<8x1024xf32> to vector<1x8x1024xf32>
          tpu.vector_store %arg8[%swap3A_264, %swap3A_265, %swap3A_266], %swap3A_269 {strides = array<i32>} : memref<128x8x1024xf32, #tpu.memory_space<vmem>>, vector<1x8x1024xf32>,
        } else {
        }
        %add3A_218 = arith.constant 1 : i32
        %add3A_219 = arith.addi %add3A_86, %add3A_218 : i32
        %lt3A_220 = arith.cmpi slt, %add3A_219, %add3A_87 : i32
        %convert_element_type3A_221 = arith.extui %lt3A_220 : i1 to i32
        %cond3A_222 = arith.constant 0 : i32
        %cond3A_223 = arith.cmpi ne, %convert_element_type3A_221, %cond3A_222 : i32
        scf.if %cond3A_223 {
          %min3A_260 = arith.constant 127 : i32
          %min3A_261 = arith.minsi %add3A_219, %min3A_260 : i32
          %get3A_262 = arith.index_cast %min3A_261 : i32 to index
          %get3A_263 = memref.load %arg4[%get3A_262] : memref<128xi32, #tpu.memory_space<smem>>
          %slice3A = vector.extract_strided_slice %add3A_211 {offsets = [8, 0], sizes = [8, 1024], strides = [1, 1]} : vector<64x1024xf32> to vector<8x1024xf32>
          %swap3A_264 = arith.index_cast %get3A_263 : i32 to index
          %swap3A_265 = arith.constant 0 : index
          %swap3A_266 = arith.constant 0 : index
          %swap3A_267 = vector.load %arg8[%swap3A_264, %swap3A_265, %swap3A_266] : memref<128x8x1024xf32, #tpu.memory_space<vmem>>, vector<1x8x1024xf32>
          %swap3A_268 = vector.shape_cast %swap3A_267 : vector<1x8x1024xf32> to vector<8x1024xf32>
          %swap3A_269 = vector.shape_cast %slice3A : vector<8x1024xf32> to vector<1x8x1024xf32>
          tpu.vector_store %arg8[%swap3A_264, %swap3A_265, %swap3A_266], %swap3A_269 {strides = array<i32>} : memref<128x8x1024xf32, #tpu.memory_space<vmem>>, vector<1x8x1024xf32>,
        } else {
        }
        %add3A_224 = arith.constant 2 : i32
        %add3A_225 = arith.addi %add3A_86, %add3A_224 : i32
        %lt3A_226 = arith.cmpi slt, %add3A_225, %add3A_87 : i32
        %convert_element_type3A_227 = arith.extui %lt3A_226 : i1 to i32
        %cond3A_228 = arith.constant 0 : i32
        %cond3A_229 = arith.cmpi ne, %convert_element_type3A_227, %cond3A_228 : i32
        scf.if %cond3A_229 {
          %min3A_260 = arith.constant 127 : i32
          %min3A_261 = arith.minsi %add3A_225, %min3A_260 : i32
          %get3A_262 = arith.index_cast %min3A_261 : i32 to index
          %get3A_263 = memref.load %arg4[%get3A_262] : memref<128xi32, #tpu.memory_space<smem>>
          %slice3A = vector.extract_strided_slice %add3A_211 {offsets = [16, 0], sizes = [8, 1024], strides = [1, 1]} : vector<64x1024xf32> to vector<8x1024xf32>
          %swap3A_264 = arith.index_cast %get3A_263 : i32 to index
          %swap3A_265 = arith.constant 0 : index
          %swap3A_266 = arith.constant 0 : index
          %swap3A_267 = vector.load %arg8[%swap3A_264, %swap3A_265, %swap3A_266] : memref<128x8x1024xf32, #tpu.memory_space<vmem>>, vector<1x8x1024xf32>
          %swap3A_268 = vector.shape_cast %swap3A_267 : vector<1x8x1024xf32> to vector<8x1024xf32>
          %swap3A_269 = vector.shape_cast %slice3A : vector<8x1024xf32> to vector<1x8x1024xf32>
          tpu.vector_store %arg8[%swap3A_264, %swap3A_265, %swap3A_266], %swap3A_269 {strides = array<i32>} : memref<128x8x1024xf32, #tpu.memory_space<vmem>>, vector<1x8x1024xf32>,
        } else {
        }
        %add3A_230 = arith.constant 3 : i32
        %add3A_231 = arith.addi %add3A_86, %add3A_230 : i32
        %lt3A_232 = arith.cmpi slt, %add3A_231, %add3A_87 : i32
        %convert_element_type3A_233 = arith.extui %lt3A_232 : i1 to i32
        %cond3A_234 = arith.constant 0 : i32
        %cond3A_235 = arith.cmpi ne, %convert_element_type3A_233, %cond3A_234 : i32
        scf.if %cond3A_235 {
          %min3A_260 = arith.constant 127 : i32
          %min3A_261 = arith.minsi %add3A_231, %min3A_260 : i32
          %get3A_262 = arith.index_cast %min3A_261 : i32 to index
          %get3A_263 = memref.load %arg4[%get3A_262] : memref<128xi32, #tpu.memory_space<smem>>
          %slice3A = vector.extract_strided_slice %add3A_211 {offsets = [24, 0], sizes = [8, 1024], strides = [1, 1]} : vector<64x1024xf32> to vector<8x1024xf32>
          %swap3A_264 = arith.index_cast %get3A_263 : i32 to index
          %swap3A_265 = arith.constant 0 : index
          %swap3A_266 = arith.constant 0 : index
          %swap3A_267 = vector.load %arg8[%swap3A_264, %swap3A_265, %swap3A_266] : memref<128x8x1024xf32, #tpu.memory_space<vmem>>, vector<1x8x1024xf32>
          %swap3A_268 = vector.shape_cast %swap3A_267 : vector<1x8x1024xf32> to vector<8x1024xf32>
          %swap3A_269 = vector.shape_cast %slice3A : vector<8x1024xf32> to vector<1x8x1024xf32>
          tpu.vector_store %arg8[%swap3A_264, %swap3A_265, %swap3A_266], %swap3A_269 {strides = array<i32>} : memref<128x8x1024xf32, #tpu.memory_space<vmem>>, vector<1x8x1024xf32>,
        } else {
        }
        %add3A_236 = arith.constant 4 : i32
        %add3A_237 = arith.addi %add3A_86, %add3A_236 : i32
        %lt3A_238 = arith.cmpi slt, %add3A_237, %add3A_87 : i32
        %convert_element_type3A_239 = arith.extui %lt3A_238 : i1 to i32
        %cond3A_240 = arith.constant 0 : i32
        %cond3A_241 = arith.cmpi ne, %convert_element_type3A_239, %cond3A_240 : i32
        scf.if %cond3A_241 {
          %min3A_260 = arith.constant 127 : i32
          %min3A_261 = arith.minsi %add3A_237, %min3A_260 : i32
          %get3A_262 = arith.index_cast %min3A_261 : i32 to index
          %get3A_263 = memref.load %arg4[%get3A_262] : memref<128xi32, #tpu.memory_space<smem>>
          %slice3A = vector.extract_strided_slice %add3A_211 {offsets = [32, 0], sizes = [8, 1024], strides = [1, 1]} : vector<64x1024xf32> to vector<8x1024xf32>
          %swap3A_264 = arith.index_cast %get3A_263 : i32 to index
          %swap3A_265 = arith.constant 0 : index
          %swap3A_266 = arith.constant 0 : index
          %swap3A_267 = vector.load %arg8[%swap3A_264, %swap3A_265, %swap3A_266] : memref<128x8x1024xf32, #tpu.memory_space<vmem>>, vector<1x8x1024xf32>
          %swap3A_268 = vector.shape_cast %swap3A_267 : vector<1x8x1024xf32> to vector<8x1024xf32>
          %swap3A_269 = vector.shape_cast %slice3A : vector<8x1024xf32> to vector<1x8x1024xf32>
          tpu.vector_store %arg8[%swap3A_264, %swap3A_265, %swap3A_266], %swap3A_269 {strides = array<i32>} : memref<128x8x1024xf32, #tpu.memory_space<vmem>>, vector<1x8x1024xf32>,
        } else {
        }
        %add3A_242 = arith.constant 5 : i32
        %add3A_243 = arith.addi %add3A_86, %add3A_242 : i32
        %lt3A_244 = arith.cmpi slt, %add3A_243, %add3A_87 : i32
        %convert_element_type3A_245 = arith.extui %lt3A_244 : i1 to i32
        %cond3A_246 = arith.constant 0 : i32
        %cond3A_247 = arith.cmpi ne, %convert_element_type3A_245, %cond3A_246 : i32
        scf.if %cond3A_247 {
          %min3A_260 = arith.constant 127 : i32
          %min3A_261 = arith.minsi %add3A_243, %min3A_260 : i32
          %get3A_262 = arith.index_cast %min3A_261 : i32 to index
          %get3A_263 = memref.load %arg4[%get3A_262] : memref<128xi32, #tpu.memory_space<smem>>
          %slice3A = vector.extract_strided_slice %add3A_211 {offsets = [40, 0], sizes = [8, 1024], strides = [1, 1]} : vector<64x1024xf32> to vector<8x1024xf32>
          %swap3A_264 = arith.index_cast %get3A_263 : i32 to index
          %swap3A_265 = arith.constant 0 : index
          %swap3A_266 = arith.constant 0 : index
          %swap3A_267 = vector.load %arg8[%swap3A_264, %swap3A_265, %swap3A_266] : memref<128x8x1024xf32, #tpu.memory_space<vmem>>, vector<1x8x1024xf32>
          %swap3A_268 = vector.shape_cast %swap3A_267 : vector<1x8x1024xf32> to vector<8x1024xf32>
          %swap3A_269 = vector.shape_cast %slice3A : vector<8x1024xf32> to vector<1x8x1024xf32>
          tpu.vector_store %arg8[%swap3A_264, %swap3A_265, %swap3A_266], %swap3A_269 {strides = array<i32>} : memref<128x8x1024xf32, #tpu.memory_space<vmem>>, vector<1x8x1024xf32>,
        } else {
        }
        %add3A_248 = arith.constant 6 : i32
        %add3A_249 = arith.addi %add3A_86, %add3A_248 : i32
        %lt3A_250 = arith.cmpi slt, %add3A_249, %add3A_87 : i32
        %convert_element_type3A_251 = arith.extui %lt3A_250 : i1 to i32
        %cond3A_252 = arith.constant 0 : i32
        %cond3A_253 = arith.cmpi ne, %convert_element_type3A_251, %cond3A_252 : i32
        scf.if %cond3A_253 {
          %min3A_260 = arith.constant 127 : i32
          %min3A_261 = arith.minsi %add3A_249, %min3A_260 : i32
          %get3A_262 = arith.index_cast %min3A_261 : i32 to index
          %get3A_263 = memref.load %arg4[%get3A_262] : memref<128xi32, #tpu.memory_space<smem>>
          %slice3A = vector.extract_strided_slice %add3A_211 {offsets = [48, 0], sizes = [8, 1024], strides = [1, 1]} : vector<64x1024xf32> to vector<8x1024xf32>
          %swap3A_264 = arith.index_cast %get3A_263 : i32 to index
          %swap3A_265 = arith.constant 0 : index
          %swap3A_266 = arith.constant 0 : index
          %swap3A_267 = vector.load %arg8[%swap3A_264, %swap3A_265, %swap3A_266] : memref<128x8x1024xf32, #tpu.memory_space<vmem>>, vector<1x8x1024xf32>
          %swap3A_268 = vector.shape_cast %swap3A_267 : vector<1x8x1024xf32> to vector<8x1024xf32>
          %swap3A_269 = vector.shape_cast %slice3A : vector<8x1024xf32> to vector<1x8x1024xf32>
          tpu.vector_store %arg8[%swap3A_264, %swap3A_265, %swap3A_266], %swap3A_269 {strides = array<i32>} : memref<128x8x1024xf32, #tpu.memory_space<vmem>>, vector<1x8x1024xf32>,
        } else {
        }
        %add3A_254 = arith.constant 7 : i32
        %add3A_255 = arith.addi %add3A_86, %add3A_254 : i32
        %lt3A_256 = arith.cmpi slt, %add3A_255, %add3A_87 : i32
        %convert_element_type3A_257 = arith.extui %lt3A_256 : i1 to i32
        %cond3A_258 = arith.constant 0 : i32
        %cond3A_259 = arith.cmpi ne, %convert_element_type3A_257, %cond3A_258 : i32
        scf.if %cond3A_259 {
          %min3A_260 = arith.constant 127 : i32
          %min3A_261 = arith.minsi %add3A_255, %min3A_260 : i32
          %get3A_262 = arith.index_cast %min3A_261 : i32 to index
          %get3A_263 = memref.load %arg4[%get3A_262] : memref<128xi32, #tpu.memory_space<smem>>
          %slice3A = vector.extract_strided_slice %add3A_211 {offsets = [56, 0], sizes = [8, 1024], strides = [1, 1]} : vector<64x1024xf32> to vector<8x1024xf32>
          %swap3A_264 = arith.index_cast %get3A_263 : i32 to index
          %swap3A_265 = arith.constant 0 : index
          %swap3A_266 = arith.constant 0 : index
          %swap3A_267 = vector.load %arg8[%swap3A_264, %swap3A_265, %swap3A_266] : memref<128x8x1024xf32, #tpu.memory_space<vmem>>, vector<1x8x1024xf32>
          %swap3A_268 = vector.shape_cast %swap3A_267 : vector<1x8x1024xf32> to vector<8x1024xf32>
          %swap3A_269 = vector.shape_cast %slice3A : vector<8x1024xf32> to vector<1x8x1024xf32>
          tpu.vector_store %arg8[%swap3A_264, %swap3A_265, %swap3A_266], %swap3A_269 {strides = array<i32>} : memref<128x8x1024xf32, #tpu.memory_space<vmem>>, vector<1x8x1024xf32>,
        } else {
        }
      }
      %while3A_83 = arith.constant 1 : i32
      scf.for %while3A_84 = %while3A_81 to %while3A_77 step %while3A_83  : i32 {
        %mul3A = arith.constant 8 : i32
        %mul3A_85 = arith.muli %while3A_84, %mul3A : i32
        %add3A_86 = arith.addi %get3A_52, %mul3A_85 : i32
        %add3A_87 = arith.addi %get3A_52, %get3A_50 : i32
        %add3A_88 = arith.constant 0 : i32
        %add3A_89 = arith.addi %add3A_86, %add3A_88 : i32
        %min3A = arith.constant 127 : i32
        %min3A_90 = arith.minsi %add3A_89, %min3A : i32
        %get3A_91 = arith.index_cast %min3A_90 : i32 to index
        %get3A_92 = memref.load %arg4[%get3A_91] : memref<128xi32, #tpu.memory_space<smem>>
        %get3A_93 = arith.index_cast %get3A_92 : i32 to index
        %get3A_94 = arith.constant 0 : index
        %get3A_95 = arith.constant 0 : index
        %get3A_96 = vector.load %arg5[%get3A_93, %get3A_94, %get3A_95] : memref<128x8x1024xf32, #tpu.memory_space<vmem>>, vector<1x8x1024xf32>
        %get3A_97 = vector.shape_cast %get3A_96 : vector<1x8x1024xf32> to vector<8x1024xf32>
        %swap3A = arith.constant 0 : index
        %swap3A_98 = arith.constant 0 : index
        %swap3A_99 = vector.load %arg10[%swap3A, %swap3A_98] : memref<64x1024xf32, #tpu.memory_space<vmem>>, vector<8x1024xf32>
        tpu.vector_store %arg10[%swap3A, %swap3A_98], %get3A_97 {strides = array<i32>} : memref<64x1024xf32, #tpu.memory_space<vmem>>, vector<8x1024xf32>,
        %add3A_100 = arith.constant 1 : i32
        %add3A_101 = arith.addi %add3A_86, %add3A_100 : i32
        %min3A_102 = arith.constant 127 : i32
        %min3A_103 = arith.minsi %add3A_101, %min3A_102 : i32
        %get3A_104 = arith.index_cast %min3A_103 : i32 to index
        %get3A_105 = memref.load %arg4[%get3A_104] : memref<128xi32, #tpu.memory_space<smem>>
        %get3A_106 = arith.index_cast %get3A_105 : i32 to index
        %get3A_107 = arith.constant 0 : index
        %get3A_108 = arith.constant 0 : index
        %get3A_109 = vector.load %arg5[%get3A_106, %get3A_107, %get3A_108] : memref<128x8x1024xf32, #tpu.memory_space<vmem>>, vector<1x8x1024xf32>
        %get3A_110 = vector.shape_cast %get3A_109 : vector<1x8x1024xf32> to vector<8x1024xf32>
        %swap3A_111 = arith.constant 8 : index
        %swap3A_112 = arith.constant 0 : index
        %swap3A_113 = vector.load %arg10[%swap3A_111, %swap3A_112] : memref<64x1024xf32, #tpu.memory_space<vmem>>, vector<8x1024xf32>
        tpu.vector_store %arg10[%swap3A_111, %swap3A_112], %get3A_110 {strides = array<i32>} : memref<64x1024xf32, #tpu.memory_space<vmem>>, vector<8x1024xf32>,
        %add3A_114 = arith.constant 2 : i32
        %add3A_115 = arith.addi %add3A_86, %add3A_114 : i32
        %min3A_116 = arith.constant 127 : i32
        %min3A_117 = arith.minsi %add3A_115, %min3A_116 : i32
        %get3A_118 = arith.index_cast %min3A_117 : i32 to index
        %get3A_119 = memref.load %arg4[%get3A_118] : memref<128xi32, #tpu.memory_space<smem>>
        %get3A_120 = arith.index_cast %get3A_119 : i32 to index
        %get3A_121 = arith.constant 0 : index
        %get3A_122 = arith.constant 0 : index
        %get3A_123 = vector.load %arg5[%get3A_120, %get3A_121, %get3A_122] : memref<128x8x1024xf32, #tpu.memory_space<vmem>>, vector<1x8x1024xf32>
        %get3A_124 = vector.shape_cast %get3A_123 : vector<1x8x1024xf32> to vector<8x1024xf32>
        %swap3A_125 = arith.constant 16 : index
        %swap3A_126 = arith.constant 0 : index
        %swap3A_127 = vector.load %arg10[%swap3A_125, %swap3A_126] : memref<64x1024xf32, #tpu.memory_space<vmem>>, vector<8x1024xf32>
        tpu.vector_store %arg10[%swap3A_125, %swap3A_126], %get3A_124 {strides = array<i32>} : memref<64x1024xf32, #tpu.memory_space<vmem>>, vector<8x1024xf32>,
        %add3A_128 = arith.constant 3 : i32
        %add3A_129 = arith.addi %add3A_86, %add3A_128 : i32
        %min3A_130 = arith.constant 127 : i32
        %min3A_131 = arith.minsi %add3A_129, %min3A_130 : i32
        %get3A_132 = arith.index_cast %min3A_131 : i32 to index
        %get3A_133 = memref.load %arg4[%get3A_132] : memref<128xi32, #tpu.memory_space<smem>>
        %get3A_134 = arith.index_cast %get3A_133 : i32 to index
        %get3A_135 = arith.constant 0 : index
        %get3A_136 = arith.constant 0 : index
        %get3A_137 = vector.load %arg5[%get3A_134, %get3A_135, %get3A_136] : memref<128x8x1024xf32, #tpu.memory_space<vmem>>, vector<1x8x1024xf32>
        %get3A_138 = vector.shape_cast %get3A_137 : vector<1x8x1024xf32> to vector<8x1024xf32>
        %swap3A_139 = arith.constant 24 : index
        %swap3A_140 = arith.constant 0 : index
        %swap3A_141 = vector.load %arg10[%swap3A_139, %swap3A_140] : memref<64x1024xf32, #tpu.memory_space<vmem>>, vector<8x1024xf32>
        tpu.vector_store %arg10[%swap3A_139, %swap3A_140], %get3A_138 {strides = array<i32>} : memref<64x1024xf32, #tpu.memory_space<vmem>>, vector<8x1024xf32>,
        %add3A_142 = arith.constant 4 : i32
        %add3A_143 = arith.addi %add3A_86, %add3A_142 : i32
        %min3A_144 = arith.constant 127 : i32
        %min3A_145 = arith.minsi %add3A_143, %min3A_144 : i32
        %get3A_146 = arith.index_cast %min3A_145 : i32 to index
        %get3A_147 = memref.load %arg4[%get3A_146] : memref<128xi32, #tpu.memory_space<smem>>
        %get3A_148 = arith.index_cast %get3A_147 : i32 to index
        %get3A_149 = arith.constant 0 : index
        %get3A_150 = arith.constant 0 : index
        %get3A_151 = vector.load %arg5[%get3A_148, %get3A_149, %get3A_150] : memref<128x8x1024xf32, #tpu.memory_space<vmem>>, vector<1x8x1024xf32>
        %get3A_152 = vector.shape_cast %get3A_151 : vector<1x8x1024xf32> to vector<8x1024xf32>
        %swap3A_153 = arith.constant 32 : index
        %swap3A_154 = arith.constant 0 : index
        %swap3A_155 = vector.load %arg10[%swap3A_153, %swap3A_154] : memref<64x1024xf32, #tpu.memory_space<vmem>>, vector<8x1024xf32>
        tpu.vector_store %arg10[%swap3A_153, %swap3A_154], %get3A_152 {strides = array<i32>} : memref<64x1024xf32, #tpu.memory_space<vmem>>, vector<8x1024xf32>,
        %add3A_156 = arith.constant 5 : i32
        %add3A_157 = arith.addi %add3A_86, %add3A_156 : i32
        %min3A_158 = arith.constant 127 : i32
        %min3A_159 = arith.minsi %add3A_157, %min3A_158 : i32
        %get3A_160 = arith.index_cast %min3A_159 : i32 to index
        %get3A_161 = memref.load %arg4[%get3A_160] : memref<128xi32, #tpu.memory_space<smem>>
        %get3A_162 = arith.index_cast %get3A_161 : i32 to index
        %get3A_163 = arith.constant 0 : index
        %get3A_164 = arith.constant 0 : index
        %get3A_165 = vector.load %arg5[%get3A_162, %get3A_163, %get3A_164] : memref<128x8x1024xf32, #tpu.memory_space<vmem>>, vector<1x8x1024xf32>
        %get3A_166 = vector.shape_cast %get3A_165 : vector<1x8x1024xf32> to vector<8x1024xf32>
        %swap3A_167 = arith.constant 40 : index
        %swap3A_168 = arith.constant 0 : index
        %swap3A_169 = vector.load %arg10[%swap3A_167, %swap3A_168] : memref<64x1024xf32, #tpu.memory_space<vmem>>, vector<8x1024xf32>
        tpu.vector_store %arg10[%swap3A_167, %swap3A_168], %get3A_166 {strides = array<i32>} : memref<64x1024xf32, #tpu.memory_space<vmem>>, vector<8x1024xf32>,
        %add3A_170 = arith.constant 6 : i32
        %add3A_171 = arith.addi %add3A_86, %add3A_170 : i32
        %min3A_172 = arith.constant 127 : i32
        %min3A_173 = arith.minsi %add3A_171, %min3A_172 : i32
        %get3A_174 = arith.index_cast %min3A_173 : i32 to index
        %get3A_175 = memref.load %arg4[%get3A_174] : memref<128xi32, #tpu.memory_space<smem>>
        %get3A_176 = arith.index_cast %get3A_175 : i32 to index
        %get3A_177 = arith.constant 0 : index
        %get3A_178 = arith.constant 0 : index
        %get3A_179 = vector.load %arg5[%get3A_176, %get3A_177, %get3A_178] : memref<128x8x1024xf32, #tpu.memory_space<vmem>>, vector<1x8x1024xf32>
        %get3A_180 = vector.shape_cast %get3A_179 : vector<1x8x1024xf32> to vector<8x1024xf32>
        %swap3A_181 = arith.constant 48 : index
        %swap3A_182 = arith.constant 0 : index
        %swap3A_183 = vector.load %arg10[%swap3A_181, %swap3A_182] : memref<64x1024xf32, #tpu.memory_space<vmem>>, vector<8x1024xf32>
        tpu.vector_store %arg10[%swap3A_181, %swap3A_182], %get3A_180 {strides = array<i32>} : memref<64x1024xf32, #tpu.memory_space<vmem>>, vector<8x1024xf32>,
        %add3A_184 = arith.constant 7 : i32
        %add3A_185 = arith.addi %add3A_86, %add3A_184 : i32
        %min3A_186 = arith.constant 127 : i32
        %min3A_187 = arith.minsi %add3A_185, %min3A_186 : i32
        %get3A_188 = arith.index_cast %min3A_187 : i32 to index
        %get3A_189 = memref.load %arg4[%get3A_188] : memref<128xi32, #tpu.memory_space<smem>>
        %get3A_190 = arith.index_cast %get3A_189 : i32 to index
        %get3A_191 = arith.constant 0 : index
        %get3A_192 = arith.constant 0 : index
        %get3A_193 = vector.load %arg5[%get3A_190, %get3A_191, %get3A_192] : memref<128x8x1024xf32, #tpu.memory_space<vmem>>, vector<1x8x1024xf32>
        %get3A_194 = vector.shape_cast %get3A_193 : vector<1x8x1024xf32> to vector<8x1024xf32>
        %swap3A_195 = arith.constant 56 : index
        %swap3A_196 = arith.constant 0 : index
        %swap3A_197 = vector.load %arg10[%swap3A_195, %swap3A_196] : memref<64x1024xf32, #tpu.memory_space<vmem>>, vector<8x1024xf32>
        tpu.vector_store %arg10[%swap3A_195, %swap3A_196], %get3A_194 {strides = array<i32>} : memref<64x1024xf32, #tpu.memory_space<vmem>>, vector<8x1024xf32>,
        %get3A_198 = arith.constant 0 : index
        %get3A_199 = arith.constant 0 : index
        %get3A_200 = vector.load %arg10[%get3A_198, %get3A_199] : memref<64x1024xf32, #tpu.memory_space<vmem>>, vector<64x1024xf32>
        %get3A_201 = arith.index_cast %rem3A_28 : i32 to index
        %get3A_202 = arith.constant 0 : index
        %get3A_203 = arith.constant 0 : index
        %get3A_204 = vector.load %arg9[%get3A_201, %get3A_202, %get3A_203] : memref<4x1024x1024xf32, #tpu.memory_space<vmem>>, vector<1x1024x1024xf32>
        %get3A_205 = vector.shape_cast %get3A_204 : vector<1x1024x1024xf32> to vector<1024x1024xf32>
        %dot_general3A = arith.constant dense<0.000000e+00> : vector<64x1024xf32>
        %dot_general3A_206 = tpu.matmul %get3A_200, %get3A_205, %dot_general3A {dimension_numbers = #tpu.dot_dimension_numbers<[1], [1], [0], [0], [0, 0, 1, 0], [], []>, transpose_lhs_hint = false} : vector<64x1024xf32>, vector<1024x1024xf32>, vector<64x1024xf32> -> vector<64x1024xf32>
        %get3A_207 = arith.index_cast %get3A_48 : i32 to index
        %get3A_208 = arith.constant 0 : index
        %get3A_209 = vector.load %arg7[%get3A_207, %get3A_208] : memref<64x1024xf32, #tpu.memory_space<vmem>>, vector<1x1024xf32>
        %add3A_210 = vector.broadcast %get3A_209 : vector<1x1024xf32> to vector<64x1024xf32>
        %add3A_211 = arith.addf %dot_general3A_206, %add3A_210 : vector<64x1024xf32>
        %add3A_212 = arith.constant 0 : i32
        %add3A_213 = arith.addi %add3A_86, %add3A_212 : i32
        %lt3A_214 = arith.cmpi slt, %add3A_213, %add3A_87 : i32
        %convert_element_type3A_215 = arith.extui %lt3A_214 : i1 to i32
        %cond3A_216 = arith.constant 0 : i32
        %cond3A_217 = arith.cmpi ne, %convert_element_type3A_215, %cond3A_216 : i32
        scf.if %cond3A_217 {
          %min3A_260 = arith.constant 127 : i32
          %min3A_261 = arith.minsi %add3A_213, %min3A_260 : i32
          %get3A_262 = arith.index_cast %min3A_261 : i32 to index
          %get3A_263 = memref.load %arg4[%get3A_262] : memref<128xi32, #tpu.memory_space<smem>>
          %slice3A = vector.extract_strided_slice %add3A_211 {offsets = [0, 0], sizes = [8, 1024], strides = [1, 1]} : vector<64x1024xf32> to vector<8x1024xf32>
          %swap3A_264 = arith.index_cast %get3A_263 : i32 to index
          %swap3A_265 = arith.constant 0 : index
          %swap3A_266 = arith.constant 0 : index
          %swap3A_267 = vector.load %arg8[%swap3A_264, %swap3A_265, %swap3A_266] : memref<128x8x1024xf32, #tpu.memory_space<vmem>>, vector<1x8x1024xf32>
          %swap3A_268 = vector.shape_cast %swap3A_267 : vector<1x8x1024xf32> to vector<8x1024xf32>
          %swap3A_269 = vector.shape_cast %slice3A : vector<8x1024xf32> to vector<1x8x1024xf32>
          tpu.vector_store %arg8[%swap3A_264, %swap3A_265, %swap3A_266], %swap3A_269 {strides = array<i32>} : memref<128x8x1024xf32, #tpu.memory_space<vmem>>, vector<1x8x1024xf32>,
        } else {
        }
        %add3A_218 = arith.constant 1 : i32
        %add3A_219 = arith.addi %add3A_86, %add3A_218 : i32
        %lt3A_220 = arith.cmpi slt, %add3A_219, %add3A_87 : i32
        %convert_element_type3A_221 = arith.extui %lt3A_220 : i1 to i32
        %cond3A_222 = arith.constant 0 : i32
        %cond3A_223 = arith.cmpi ne, %convert_element_type3A_221, %cond3A_222 : i32
        scf.if %cond3A_223 {
          %min3A_260 = arith.constant 127 : i32
          %min3A_261 = arith.minsi %add3A_219, %min3A_260 : i32
          %get3A_262 = arith.index_cast %min3A_261 : i32 to index
          %get3A_263 = memref.load %arg4[%get3A_262] : memref<128xi32, #tpu.memory_space<smem>>
          %slice3A = vector.extract_strided_slice %add3A_211 {offsets = [8, 0], sizes = [8, 1024], strides = [1, 1]} : vector<64x1024xf32> to vector<8x1024xf32>
          %swap3A_264 = arith.index_cast %get3A_263 : i32 to index
          %swap3A_265 = arith.constant 0 : index
          %swap3A_266 = arith.constant 0 : index
          %swap3A_267 = vector.load %arg8[%swap3A_264, %swap3A_265, %swap3A_266] : memref<128x8x1024xf32, #tpu.memory_space<vmem>>, vector<1x8x1024xf32>
          %swap3A_268 = vector.shape_cast %swap3A_267 : vector<1x8x1024xf32> to vector<8x1024xf32>
          %swap3A_269 = vector.shape_cast %slice3A : vector<8x1024xf32> to vector<1x8x1024xf32>
          tpu.vector_store %arg8[%swap3A_264, %swap3A_265, %swap3A_266], %swap3A_269 {strides = array<i32>} : memref<128x8x1024xf32, #tpu.memory_space<vmem>>, vector<1x8x1024xf32>,
        } else {
        }
        %add3A_224 = arith.constant 2 : i32
        %add3A_225 = arith.addi %add3A_86, %add3A_224 : i32
        %lt3A_226 = arith.cmpi slt, %add3A_225, %add3A_87 : i32
        %convert_element_type3A_227 = arith.extui %lt3A_226 : i1 to i32
        %cond3A_228 = arith.constant 0 : i32
        %cond3A_229 = arith.cmpi ne, %convert_element_type3A_227, %cond3A_228 : i32
        scf.if %cond3A_229 {
          %min3A_260 = arith.constant 127 : i32
          %min3A_261 = arith.minsi %add3A_225, %min3A_260 : i32
          %get3A_262 = arith.index_cast %min3A_261 : i32 to index
          %get3A_263 = memref.load %arg4[%get3A_262] : memref<128xi32, #tpu.memory_space<smem>>
          %slice3A = vector.extract_strided_slice %add3A_211 {offsets = [16, 0], sizes = [8, 1024], strides = [1, 1]} : vector<64x1024xf32> to vector<8x1024xf32>
          %swap3A_264 = arith.index_cast %get3A_263 : i32 to index
          %swap3A_265 = arith.constant 0 : index
          %swap3A_266 = arith.constant 0 : index
          %swap3A_267 = vector.load %arg8[%swap3A_264, %swap3A_265, %swap3A_266] : memref<128x8x1024xf32, #tpu.memory_space<vmem>>, vector<1x8x1024xf32>
          %swap3A_268 = vector.shape_cast %swap3A_267 : vector<1x8x1024xf32> to vector<8x1024xf32>
          %swap3A_269 = vector.shape_cast %slice3A : vector<8x1024xf32> to vector<1x8x1024xf32>
          tpu.vector_store %arg8[%swap3A_264, %swap3A_265, %swap3A_266], %swap3A_269 {strides = array<i32>} : memref<128x8x1024xf32, #tpu.memory_space<vmem>>, vector<1x8x1024xf32>,
        } else {
        }
        %add3A_230 = arith.constant 3 : i32
        %add3A_231 = arith.addi %add3A_86, %add3A_230 : i32
        %lt3A_232 = arith.cmpi slt, %add3A_231, %add3A_87 : i32
        %convert_element_type3A_233 = arith.extui %lt3A_232 : i1 to i32
        %cond3A_234 = arith.constant 0 : i32
        %cond3A_235 = arith.cmpi ne, %convert_element_type3A_233, %cond3A_234 : i32
        scf.if %cond3A_235 {
          %min3A_260 = arith.constant 127 : i32
          %min3A_261 = arith.minsi %add3A_231, %min3A_260 : i32
          %get3A_262 = arith.index_cast %min3A_261 : i32 to index
          %get3A_263 = memref.load %arg4[%get3A_262] : memref<128xi32, #tpu.memory_space<smem>>
          %slice3A = vector.extract_strided_slice %add3A_211 {offsets = [24, 0], sizes = [8, 1024], strides = [1, 1]} : vector<64x1024xf32> to vector<8x1024xf32>
          %swap3A_264 = arith.index_cast %get3A_263 : i32 to index
          %swap3A_265 = arith.constant 0 : index
          %swap3A_266 = arith.constant 0 : index
          %swap3A_267 = vector.load %arg8[%swap3A_264, %swap3A_265, %swap3A_266] : memref<128x8x1024xf32, #tpu.memory_space<vmem>>, vector<1x8x1024xf32>
          %swap3A_268 = vector.shape_cast %swap3A_267 : vector<1x8x1024xf32> to vector<8x1024xf32>
          %swap3A_269 = vector.shape_cast %slice3A : vector<8x1024xf32> to vector<1x8x1024xf32>
          tpu.vector_store %arg8[%swap3A_264, %swap3A_265, %swap3A_266], %swap3A_269 {strides = array<i32>} : memref<128x8x1024xf32, #tpu.memory_space<vmem>>, vector<1x8x1024xf32>,
        } else {
        }
        %add3A_236 = arith.constant 4 : i32
        %add3A_237 = arith.addi %add3A_86, %add3A_236 : i32
        %lt3A_238 = arith.cmpi slt, %add3A_237, %add3A_87 : i32
        %convert_element_type3A_239 = arith.extui %lt3A_238 : i1 to i32
        %cond3A_240 = arith.constant 0 : i32
        %cond3A_241 = arith.cmpi ne, %convert_element_type3A_239, %cond3A_240 : i32
        scf.if %cond3A_241 {
          %min3A_260 = arith.constant 127 : i32
          %min3A_261 = arith.minsi %add3A_237, %min3A_260 : i32
          %get3A_262 = arith.index_cast %min3A_261 : i32 to index
          %get3A_263 = memref.load %arg4[%get3A_262] : memref<128xi32, #tpu.memory_space<smem>>
          %slice3A = vector.extract_strided_slice %add3A_211 {offsets = [32, 0], sizes = [8, 1024], strides = [1, 1]} : vector<64x1024xf32> to vector<8x1024xf32>
          %swap3A_264 = arith.index_cast %get3A_263 : i32 to index
          %swap3A_265 = arith.constant 0 : index
          %swap3A_266 = arith.constant 0 : index
          %swap3A_267 = vector.load %arg8[%swap3A_264, %swap3A_265, %swap3A_266] : memref<128x8x1024xf32, #tpu.memory_space<vmem>>, vector<1x8x1024xf32>
          %swap3A_268 = vector.shape_cast %swap3A_267 : vector<1x8x1024xf32> to vector<8x1024xf32>
          %swap3A_269 = vector.shape_cast %slice3A : vector<8x1024xf32> to vector<1x8x1024xf32>
          tpu.vector_store %arg8[%swap3A_264, %swap3A_265, %swap3A_266], %swap3A_269 {strides = array<i32>} : memref<128x8x1024xf32, #tpu.memory_space<vmem>>, vector<1x8x1024xf32>,
        } else {
        }
        %add3A_242 = arith.constant 5 : i32
        %add3A_243 = arith.addi %add3A_86, %add3A_242 : i32
        %lt3A_244 = arith.cmpi slt, %add3A_243, %add3A_87 : i32
        %convert_element_type3A_245 = arith.extui %lt3A_244 : i1 to i32
        %cond3A_246 = arith.constant 0 : i32
        %cond3A_247 = arith.cmpi ne, %convert_element_type3A_245, %cond3A_246 : i32
        scf.if %cond3A_247 {
          %min3A_260 = arith.constant 127 : i32
          %min3A_261 = arith.minsi %add3A_243, %min3A_260 : i32
          %get3A_262 = arith.index_cast %min3A_261 : i32 to index
          %get3A_263 = memref.load %arg4[%get3A_262] : memref<128xi32, #tpu.memory_space<smem>>
          %slice3A = vector.extract_strided_slice %add3A_211 {offsets = [40, 0], sizes = [8, 1024], strides = [1, 1]} : vector<64x1024xf32> to vector<8x1024xf32>
          %swap3A_264 = arith.index_cast %get3A_263 : i32 to index
          %swap3A_265 = arith.constant 0 : index
          %swap3A_266 = arith.constant 0 : index
          %swap3A_267 = vector.load %arg8[%swap3A_264, %swap3A_265, %swap3A_266] : memref<128x8x1024xf32, #tpu.memory_space<vmem>>, vector<1x8x1024xf32>
          %swap3A_268 = vector.shape_cast %swap3A_267 : vector<1x8x1024xf32> to vector<8x1024xf32>
          %swap3A_269 = vector.shape_cast %slice3A : vector<8x1024xf32> to vector<1x8x1024xf32>
          tpu.vector_store %arg8[%swap3A_264, %swap3A_265, %swap3A_266], %swap3A_269 {strides = array<i32>} : memref<128x8x1024xf32, #tpu.memory_space<vmem>>, vector<1x8x1024xf32>,
        } else {
        }
        %add3A_248 = arith.constant 6 : i32
        %add3A_249 = arith.addi %add3A_86, %add3A_248 : i32
        %lt3A_250 = arith.cmpi slt, %add3A_249, %add3A_87 : i32
        %convert_element_type3A_251 = arith.extui %lt3A_250 : i1 to i32
        %cond3A_252 = arith.constant 0 : i32
        %cond3A_253 = arith.cmpi ne, %convert_element_type3A_251, %cond3A_252 : i32
        scf.if %cond3A_253 {
          %min3A_260 = arith.constant 127 : i32
          %min3A_261 = arith.minsi %add3A_249, %min3A_260 : i32
          %get3A_262 = arith.index_cast %min3A_261 : i32 to index
          %get3A_263 = memref.load %arg4[%get3A_262] : memref<128xi32, #tpu.memory_space<smem>>
          %slice3A = vector.extract_strided_slice %add3A_211 {offsets = [48, 0], sizes = [8, 1024], strides = [1, 1]} : vector<64x1024xf32> to vector<8x1024xf32>
          %swap3A_264 = arith.index_cast %get3A_263 : i32 to index
          %swap3A_265 = arith.constant 0 : index
          %swap3A_266 = arith.constant 0 : index
          %swap3A_267 = vector.load %arg8[%swap3A_264, %swap3A_265, %swap3A_266] : memref<128x8x1024xf32, #tpu.memory_space<vmem>>, vector<1x8x1024xf32>
          %swap3A_268 = vector.shape_cast %swap3A_267 : vector<1x8x1024xf32> to vector<8x1024xf32>
          %swap3A_269 = vector.shape_cast %slice3A : vector<8x1024xf32> to vector<1x8x1024xf32>
          tpu.vector_store %arg8[%swap3A_264, %swap3A_265, %swap3A_266], %swap3A_269 {strides = array<i32>} : memref<128x8x1024xf32, #tpu.memory_space<vmem>>, vector<1x8x1024xf32>,
        } else {
        }
        %add3A_254 = arith.constant 7 : i32
        %add3A_255 = arith.addi %add3A_86, %add3A_254 : i32
        %lt3A_256 = arith.cmpi slt, %add3A_255, %add3A_87 : i32
        %convert_element_type3A_257 = arith.extui %lt3A_256 : i1 to i32
        %cond3A_258 = arith.constant 0 : i32
        %cond3A_259 = arith.cmpi ne, %convert_element_type3A_257, %cond3A_258 : i32
        scf.if %cond3A_259 {
          %min3A_260 = arith.constant 127 : i32
          %min3A_261 = arith.minsi %add3A_255, %min3A_260 : i32
          %get3A_262 = arith.index_cast %min3A_261 : i32 to index
          %get3A_263 = memref.load %arg4[%get3A_262] : memref<128xi32, #tpu.memory_space<smem>>
          %slice3A = vector.extract_strided_slice %add3A_211 {offsets = [56, 0], sizes = [8, 1024], strides = [1, 1]} : vector<64x1024xf32> to vector<8x1024xf32>
          %swap3A_264 = arith.index_cast %get3A_263 : i32 to index
          %swap3A_265 = arith.constant 0 : index
          %swap3A_266 = arith.constant 0 : index
          %swap3A_267 = vector.load %arg8[%swap3A_264, %swap3A_265, %swap3A_266] : memref<128x8x1024xf32, #tpu.memory_space<vmem>>, vector<1x8x1024xf32>
          %swap3A_268 = vector.shape_cast %swap3A_267 : vector<1x8x1024xf32> to vector<8x1024xf32>
          %swap3A_269 = vector.shape_cast %slice3A : vector<8x1024xf32> to vector<1x8x1024xf32>
          tpu.vector_store %arg8[%swap3A_264, %swap3A_265, %swap3A_266], %swap3A_269 {strides = array<i32>} : memref<128x8x1024xf32, #tpu.memory_space<vmem>>, vector<1x8x1024xf32>,
        } else {
        }
      }
    }
    return
  }
}

</mosaic_0001>

<sc_bundles>
// kernel: scatter_offload_async_start.1
scs
__scs_entry_jumppad:
0x0: {  	(pc) =	sbr.rel $0x88, $3  }
0x1: {  	(tag) =	ssettag $0x0;
	lr =	simm.s32 $0x1  }
0x2: {  	[smem:$0x3F9D] =	sst lr;
	_ =	strace $0xD0000000  }
0x3: {  	_ = 	snop  }
0x4: {  	_ = 	snop  }
0x5: {  	_ = 	snop  }
0x6: {  	_ = 	snop  }
0x7: {  	_ = 	snop  }
__scs_overlays_trampoline_lowered:
0x8: {  	[smem:$0x3FAC] =	sst s0  }
0x9: {  	[smem:$0x3FAD] =	sst s1  }
0xa: {  	[smem:$0x3FAE] =	sst s2  }
0xb: {  	[smem:$0x3FAF] =	sst s3  }
0xc: {  	[smem:$0x3FB0] =	sst s4  }
0xd: {  	[smem:$0x3FB1] =	sst s5  }
0xe: {  	[smem:$0x3FB2] =	sst s6  }
0xf: {  	[smem:$0x3FB3] =	sst s7  }
0x10: {  	[smem:$0x3FB4] =	sst s8  }
0x11: {  	[smem:$0x3FB5] =	sst s9;
	s0 =	simm.s32 @!p0 $0x0  }
0x12: {  	s1 =	sld [smem:$0x3F9B];
	s0 =	simm.s32 @p0 $0x1  }
0x13: {  	[smem:$0x3FB6] =	sst s0;
	s0 =	simm.s32 @!p1 $0x0  }
0x14: {  	s2 =	sld [smem:$0x3F9A];
	s0 =	simm.s32 @p1 $0x1  }
0x15: {  	[smem:$0x3FB7] =	sst s0;
	s0 =	simm.s32 @!p2 $0x0  }
0x16: {  	s3 =	sld [smem:$0x3FDB];
	s0 =	simm.s32 @p2 $0x1  }
0x17: {  	s4 =	simm.s32 $0x1BF5;
	[smem:$0x3FB9] =	sst s0  }
0x18: {  	s0 =	sld [smem:$0x3F9C];
	_ =	swait.ge [sflag:s4], $0x0  }
0x19: {  	s7 =	sld [smem:$0x3F9D]  }
0x1a: {  	s8 =	sadd.s32 $0xFFFFE003, lr  }
0x1b: {  	s9 =	sadd.s32 $0xFFFFFEF7, lr;
	s5 =	simm.s32 $0xFFFFFFFF;
	p2 =	slt.u32 s8, $0xFFFFF086  }
0x1c: {  	p1 =	slt.u32 s9, $0xF7A;
	s5 =	simm.s32 @!p2 $0x0  }
0x1d: {  	s5 =	simm.s32 @p1 $0x1;
	p0 =	seq.s32 s7, s2  }
0x1e: {  	s7 =	smul.u32 @!p0 $0xF7A, s2;
	p2 =	seq.s32 @!p0 s5, $0x0  }
0x1f: {  	s9 =	smul.u32 $0xF7A, s1;
	s8 =	simm.s32 @!p0 $0x1BF5;
	p2 =	por !p2, p0  }
0x20: {  	[sflag:s8] =	ssyncset.s32 @!p0 $0xFFFFF086;
	s6 =	sadd.s32 @!p0 s3, s7;
	s7 =	simm.s32 @!p0 $0x108  }
0x21: {  	s3 =	sadd.s32 s3, s9;
	s6 =	sadd.s32 @!p0 $0x88, s6;
	s7 =	simm.s32 @p2 $0x1082  }
0x22: {  	[simem:s7], [sflag:s8] =	dma.local @!p0 [hbm:s6], $0xF7A  }
0x23: {  	s9 =	sor.u32 $0xD0000000, s2;
	s6 =	simm.s32 $0x108;
	_ =	swait.ge @!p0 [sflag:s8], $0x0  }
0x24: {  	s3 =	sadd.s32 $0x88, s3;
	s6 =	simm.s32 @!p1 $0x1082;
	[sflag:s4] =	ssyncset.s32 $0xFFFFF086  }
0x25: {  	[simem:s6], [sflag:s4] =	dma.local [hbm:s3], $0xF7A  }
0x26: {  	[smem:$0x3F9D] =	sst s1;
	(tag) =	ssettag s2;
	_ =	strace s9  }
0x27: {  	s1 =	sld [smem:$0x3FAD]  }
0x28: {  	s2 =	sld [smem:$0x3FAE]  }
0x29: {  	s4 =	sld [smem:$0x3FB0]  }
0x2a: {  	p0 =	seq.s32 s5, $0x0;
	s5 =	sld [smem:$0x3FB1]  }
0x2b: {  	s6 =	sld [smem:$0x3FB2]  }
0x2c: {  	s7 =	sld [smem:$0x3FB3]  }
0x2d: {  	s3 =	simm.s32 $0x108;
	s8 =	sld [smem:$0x3FB4]  }
0x2e: {  	s3 =	simm.s32 @!p0 $0x1082;
	s9 =	sld [smem:$0x3FB5]  }
0x2f: {  	lr =	sadd.s32 s0, s3;
	s0 =	sld [smem:$0x3FAC]  }
0x30: {  	s3 =	sld [smem:$0x3FAF]  }
0x31: {  	[smem:$0x3FB8] =	sst s10  }
0x32: {  	s10 =	sld [smem:$0x3FB6];
	_ =	sdelay $0x3  }
0x33: {  	p0 =	seq.s32 s10, $0x1;
	s10 =	sld [smem:$0x3FB8];
	_ =	sdelay $0x3  }
0x34: {  	[smem:$0x3FB8] =	sst s10  }
0x35: {  	s10 =	sld [smem:$0x3FB7];
	_ =	sdelay $0x3  }
0x36: {  	p1 =	seq.s32 s10, $0x1;
	s10 =	sld [smem:$0x3FB8];
	_ =	sdelay $0x3  }
0x37: {  	[smem:$0x3FB8] =	sst s10  }
0x38: {  	s10 =	sld [smem:$0x3FB9]  }
0x39: {  	_ = 	snop;
	(pc) =	sbr.ind lr, $3  }
0x3a: {  	_ = 	snop  }
0x3b: {  	_ = 	snop  }
0x3c: {  	p2 =	seq.s32 s10, $0x1;
	s10 =	sld [smem:$0x3FB8]  }
0x3d: {  	_ =	shalt  }
0x3e: {  	_ =	shalt  }
0x3f: {  	_ =	shalt  }
0x40: {  	_ =	shalt  }
0x41: {  	_ =	shalt  }
0x42: {  	_ =	shalt  }
0x43: {  	_ =	shalt  }
0x44: {  	_ =	shalt  }
0x45: {  	_ =	shalt  }
0x46: {  	_ =	shalt  }
0x47: {  	_ =	shalt  }
0x48: {  	_ =	shalt  }
0x49: {  	_ =	shalt  }
0x4a: {  	_ =	shalt  }
0x4b: {  	_ =	shalt  }
0x4c: {  	_ =	shalt  }
0x4d: {  	_ =	shalt  }
0x4e: {  	_ =	shalt  }
0x4f: {  	_ =	shalt  }
0x50: {  	_ =	shalt  }
0x51: {  	_ =	shalt  }
0x52: {  	_ =	shalt  }
0x53: {  	_ =	shalt  }
0x54: {  	_ =	shalt  }
0x55: {  	_ =	shalt  }
0x56: {  	_ =	shalt  }
0x57: {  	_ =	shalt  }
0x58: {  	_ =	shalt  }
0x59: {  	_ =	shalt  }
0x5a: {  	_ =	shalt  }
0x5b: {  	_ =	shalt  }
0x5c: {  	_ =	shalt  }
0x5d: {  	_ =	shalt  }
0x5e: {  	_ =	shalt  }
0x5f: {  	_ =	shalt  }
0x60: {  	_ =	shalt  }
0x61: {  	_ =	shalt  }
0x62: {  	_ =	shalt  }
0x63: {  	_ =	shalt  }
0x64: {  	_ =	shalt  }
0x65: {  	_ =	shalt  }
0x66: {  	_ =	shalt  }
0x67: {  	_ =	shalt  }
0x68: {  	_ =	shalt  }
0x69: {  	_ =	shalt  }
0x6a: {  	_ =	shalt  }
0x6b: {  	_ =	shalt  }
0x6c: {  	_ =	shalt  }
0x6d: {  	_ =	shalt  }
0x6e: {  	_ =	shalt  }
0x6f: {  	_ =	shalt  }
0x70: {  	_ =	shalt  }
0x71: {  	_ =	shalt  }
0x72: {  	_ =	shalt  }
0x73: {  	_ =	shalt  }
0x74: {  	_ =	shalt  }
0x75: {  	_ =	shalt  }
0x76: {  	_ =	shalt  }
0x77: {  	_ =	shalt  }
0x78: {  	_ =	shalt  }
0x79: {  	_ =	shalt  }
0x7a: {  	_ =	shalt  }
0x7b: {  	_ =	shalt  }
0x7c: {  	_ =	shalt  }
0x7d: {  	_ =	shalt  }
0x7e: {  	_ =	shalt  }
0x7f: {  	_ =	shalt  }
0x80: {  	_ =	shalt  }
0x81: {  	_ =	shalt  }
0x82: {  	_ =	shalt  }
0x83: {  	_ =	shalt  }
0x84: {  	_ =	shalt  }
0x85: {  	_ =	shalt  }
0x86: {  	_ =	shalt  }
0x87: {  	_ =	shalt  }
.Lfunc_end0:
.L_simem_size_0:
called_computation.1_lowered:
.L_overlay_start_0:
0x88: {  	s0 =	sld [smem:$0x3FD9]  }
0x89: {  	s1 =	sld [smem:$0x3FFE];
	_ =	sdelay $0x3  }
0x8a: {  	s0 =	sadd.s32 s1, s0  }
0x8b: {  	[smem:$0x3FC4] =	sst s0  }
0x8c: {  	_ = 	snop  }
0x8d: {  	s0 =	sld [smem:$0x3FD0];
	(tm) =	ssettm $0x1  }
0x8e: {  	s16 =	sld [smem:$0x3FFB];
	_ =	sdelay $0x3  }
0x8f: {  	_ =	strace s16  }
0x90: {  	s1 =	sld [smem:$0x3FFC];
	_ =	sdelay $0x3  }
0x91: {  	_ =	strace s1  }
0x92: {  	s1 =	sld [smem:$0x3FFD];
	_ =	sdelay $0x3  }
0x93: {  	_ =	strace s1  }
0x94: {  	_ =	strace $0x8FFFFFFF  }
0x95: {  	s17 =	sld [smem:$0x3FDB];
	_ =	sdelay $0x1  }
0x96: {  	s2 =	simm.s32 $_scs_section_size  }
0x97: {  	s3 =	simm.s32 $_size__tile_overlayer_lowered;
	s4 =	simm.s32 $_tile_overlayer_lowered  }
0x98: {  	s20 =	simm.s32 $0x1BFF;
	s19 =	sshll.u32 s4, $0x1;
	s1 =	sadd.s32 s2, s17  }
0x99: {  	s5 =	simm.s32 $0x0;
	s18 =	sshll.u32 s3, $0x1;
	s3 =	sadd.s32 s19, s1  }
0x9a: {  	[timem:s5], [sflag:s20] =	dma.local [hbm:s3], s18  }
0x9b: {  	_ =	swait.ge [sflag:s20], s18  }
0x9c: {  	s2 =	ssub.s32 $0x0, s18;
	[sflag:s20] =	ssyncset.done $0x0  }
0x9d: {  	[sflag:s20] =	ssyncadd.s32 s2;
	_ =	sdelay $0x1  }
0x9e: {  	s21 =	simm.s32 $0x1B8B  }
0x9f: {  	_ =	swait.ge [sflag:s21], $0x1  }
0xa0: {  	[sflag:s21] =	ssyncset.done $0x0  }
0xa1: {  	s23 =	simm.s32 $0x1B8E;
	s22 =	sld [smem:$0x3FFE];
	[sflag:s21] =	ssyncadd.s32 $0xFFFFFFFF  }
0xa2: {  	s24 =	simm.s32 $execute0_lowered;
	[smem:$0x3FD2] =	sst s23  }
0xa3: {  	s3 =	sshll.u32 s24, $0x1;
	_ =	strace $0x80000046;
	[dreg:$0x1] =	wrdreg $0xFFFFFFFF  }
0xa4: {  	s25 =	simm.s32 $_size_execute0_lowered;
	s1 =	sadd.s32 s1, s3;
	[dreg:$0x0] =	wrdreg $0x0  }
0xa5: {  	s3 =	sshll.u32 s25, $0x1;
	[dreg:$0x2] =	wrdreg s1  }
0xa6: {  	[dreg:$0x3] =	wrdreg s3  }
0xa7: {  	[dreg:$0x4] =	wrdreg $0xC0  }
0xa8: {  	_ =	task [dreg:s5], $0x5FFFF  }
0xa9: {  	[dreg:$0x1] =	wrdreg $0xFFFFFFFF  }
0xaa: {  	[dreg:$0x0] =	wrdreg $0x60  }
0xab: {  	[dreg:$0x2] =	wrdreg s0  }
0xac: {  	[dreg:$0x3] =	wrdreg s22  }
0xad: {  	[dreg:$0x4] =	wrdreg $0xA  }
0xae: {  	_ =	task.clear_ibuf [dreg:s5], $0x5FFFF;
	_ =	strace $0x90000046  }
0xaf: {  	s26 =	simm.s32 $0xA;
	_ =	strace $0x80000048  }
0xb0: {  	_ =	swait.ge [sflag:s26], $0x1  }
0xb1: {  	[sflag:s26] =	ssyncadd.s32 $0xFFFFFFFF  }
0xb2: {  	_ =	strace $0x90000048  }
0xb3: {  	_ =	sfence  }
0xb4: {  	s28 =	sld [smem:$0x0];
	_ =	sdelay $0x1  }
0xb5: {  	s29 =	srdreg.scid  }
0xb6: {  	s30 =	sshll.u32 s29, $0xD;
	s31 =	sshrl.u32 s29, $0x2  }
0xb7: {  	s2 =	sand.u32 $0x4000, s30;
	s1 =	sand.u32 $0x1, s29;
	s0 =	sadd.s32 s31, s28  }
0xb8: {  	s1 =	sor.u32 s2, s1;
	s0 =	sshll.u32 s0, $0x11  }
0xb9: {  	s0 =	sor.u32 s0, s1  }
0xba: {  	s0 =	sadd.s32 $0x8F2B, s0  }
0xbb: {  	[sflag:s0] =	ssyncadd.remote.s32 $0x1  }
0xbc: {  	_ =	sfence.sel $0xFFFF  }
0xbd: {  	[dreg:$0x0] =	wrdreg $0xFFFFFFFF;
	(pc) =	sbr.abs _section_cstart, $3  }
0xbe: {  	[dreg:$0x1] =	wrdreg $0xFFFFFFFF  }
0xbf: {  	_ =	task.clear_ibuf [dreg:s5], $0x2FFFF;
	_ =	strace $0x9FFFFFFF  }
0xc0: {  	(tm) =	ssettm $0x7FFFFFFF  }
0xc1: {  	_ =	shalt  }
tec
execute0_lowered:
.L_overlay_start_1:
0x0: {  	(tag) =	ssettag $0x1  }
0x1: {  	s1 =	rddreg [dreg:$0x0]  }
0x2: {  	s5 =	rddreg [dreg:$0x1];
	_ =	strace $0x80000047;
	s2 =	simm.s32 $0x1  }
0x3: {  	v1 =	vimm.s32 $0xFFFFFFFF;
	[sflag:s2] =	ssyncpa.u1 $0x0  }
0x4: {  	[tilespmem:$0x10] =	vst v1  }
0x5: {  	v0 =	vimm.s32 $0x7FFFFFFF;
	[tilespmem:$0x20] =	vst v1  }
0x6: {  	s6 =	simm.s32 $0x10;
	[tilespmem:$0x30] =	vst v0  }
0x7: {  	s7 =	simm.s32 $0x2;
	s31 =	simm.s32 $0x7;
	s9 =	simm.s32 $0x9;
	[tilespmem:$0x40] =	vst v0  }
0x8: {  	s16 =	simm.s32 $0x100;
	s17 =	simm.s32 $0xFFFFFFFE;
	s18 =	simm.s32 $0x0;
	[tilespmem:$0x50] =	vst v0  }
0x9: {  	s19 =	simm.s32 $0xFFFFFFFF;
	s20 =	simm.s32 $0xF;
	s21 =	simm.s32 $0x30;
	[tilespmem:$0x60] =	vst v1  }
0xa: {  	s22 =	simm.s32 $0x0;
	s25 =	simm.s32 $0x0;
	s2 =	stileid.u32;
	[tilespmem:$0x70] =	vst v1  }
0xb: {  	s23 =	simm.s32 $0x0;
	[tilespmem:$0x80] =	vst v1;
	s3 =	smin.u32 s2, $0x8;
	p0 =	slt.u32 s2, $0x8  }
0xc: {  	s4 =	sadd.s32 $0x200, s5;
	v1 =	vimm.s32 $0x0;
	[tilespmem:$0xB0] =	vst v0;
	s3 =	sshll.u32 s3, $0x4;
	s6 =	simm.s32 @!p0 $0x0  }
0xd: {  	s5 =	sadd.s32 $0x400, s5;
	s12 =	sshllo.u32 s2, $0x1;
	[tilespmem:$0x90] =	vst v1;
	s6 =	sadd.s32 s6, s3  }
0xe: {  	[tilespmem:$0xA0] =	vst v1;
	[sflag:s7] =	ssyncpa.u1 $0x0;
	s7 =	simm.s32 $0x8;
	s6 =	smin.u32 s6, $0x80  }
.Ltmp0:
0xf: {  	[sflag:s31] =	ssyncpa.u1 $0x0;
	s8 =	ssub.s32 s6, s3;
	(pc) =	sbr.rel .LBB2_1-.Ltmp0, $4  }
0x10: {  	s24 =	smov.u32 s3;
	[sflag:s7] =	ssyncpa.u1 $0x0;
	p0 =	sgt.s32 s8, $0x0  }
0x11: {  	[sflag:s9] =	ssyncpa.u1 $0x0;
	s9 =	sshll.u32 s2, $0x1;
	s8 =	simm.s32 @!p0 $0x0  }
0x12: {  	s11 =	sor.u32 $0x81, s9;
	s13 =	sor.u32 $0x80, s9;
	s8 =	sshrl.u32 s8, $0x4  }
0x13: {  	vm0 =	vmxor vm0, vm0;
	vm1 =	vmmov $0x1;
	vm2 =	vmmov $0xffff;
	s10 =	sadd.s32 $0x2, s8;
	s14 =	sadd.s32 $0x3, s8;
	s15 =	sadd.s32 $0x1, s8  }
.LBB2_3:
0x14: {  	p0 =	slt.u32 s23, $0x3  }
0x15: {  	s0 =	simm.s32 @!p0 $0x2  }
0x16: {  	_ =	swait.ge @!p0 [sflag:s0], $0x10  }
0x17: {  	[sflag:s0] =	ssyncset.done @!p0 $0x0  }
0x18: {  	[sflag:s0] =	ssyncadd.s32 @!p0 $0xFFFFFFF0;
	s0 =	simm.s32 @!p0 $0x9  }
0x19: {  	_ =	swait.ge @!p0 [sflag:s0], $0x10  }
0x1a: {  	s25 =	sadd.s32 $0x10, s24;
	s23 =	sadd.s32 $0x1, s23;
	[sflag:s0] =	ssyncset.done @!p0 $0x0  }
0x1b: {  	[sflag:s0] =	ssyncadd.s32 @!p0 $0xFFFFFFF0;
	p0 =	slt.s32 s25, s6;
	s0 =	smov.u32 s3  }
0x1c: {  	s0 =	smov.u32 @p0 s25;
	p0 =	sne.s32 s14, s23  }
.Ltmp1:
0x1d: {  	_ = 	snop;
	(pc) =	sbr.rel @!p0 .LBB2_4-.Ltmp1, $3  }
0x1e: {  	_ =	sdelay $0x1  }
0x1f: {  	s16 =	sadd.s32 $0x10, s16;
	s17 =	sadd.s32 $0x1, s17;
	s22 =	sadd.s32 $0x10, s22  }
0x20: {  	s19 =	sadd.s32 $0x1, s19;
	s25 =	smov.u32 s24;
	s24 =	smov.u32 s0  }
.LBB2_1:
0x21: {  	s26 =	smulhi.u32 $0xAAAAAAAB, s23;
	_ =	sdelay $0x1  }
0x22: {  	s26 =	sshrl.u32 s26, $0x1  }
0x23: {  	s26 =	smul.u32 $0xFFFFFF40, s26  }
0x24: {  	p0 =	sge.u32 s23, s8  }
0x25: {  	s30 =	smulhi.u32 $0xAAAAAAAB, s19;
	s28 =	sshrl.u32 @!p0 s24, $0x3;
	s26 =	sshra.s32 @!p0 s26, $0x2  }
0x26: {  	s29 =	sand.u32 @!p0 $0x7, s24;
	s28 =	sadd.s32 @!p0 s4, s28;
	s26 =	sadd.s32 @!p0 s26, s16  }
0x27: {  	[tilespmem:s26], [sflag:$0x7] =	stream.linear.gather @!p0 [hbm4b:s28+s29], $0x10, $0x38;
	[tilespmem:$0x1B0] =	vst v63  }
0x28: {  	s31 =	sadd.s32 $0xFFFFFFFF, s23;
	s26 =	sshrl.u32 s30, $0x1  }
0x29: {  	p0 =	sge.u32 s31, s8;
	s26 =	smul.u32 $0xFFFFFF40, s26  }
0x2a: {  	s28 =	simm.s32 @!p0 $0x7  }
0x2b: {  	_ =	swait.ge @!p0 [sflag:s28], $0x10;
	s26 =	sshra.s32 @!p0 s26, $0x2  }
0x2c: {  	[sflag:s28] =	ssyncset.done @!p0 $0x0;
	s26 =	sadd.s32 @!p0 s26, s16  }
0x2d: {  	[sflag:s28] =	ssyncadd.s32 @!p0 $0xFFFFFFF0;
	(ifvalue) =	ssetifvalue @!p0 $0xFFFFFFFF;
	v2 =	vld.msk @!p0 [tilespmem:s26+$0xFFFFFFF0 ss:$0x1], $0xffff;
	_ =	sdelay $0x1  }
0x2e: {  	p1 =	sne.s32 @!p0 s23, $0x1  }
0x2f: {  	p1 =	por p1, p0  }
0x30: {  	v3 =	vimm.s32 @!p1 $0x0  }
0x31: {  	v3 =	vperm.xlane @!p1 v2, v3  }
0x32: {  	vm3 =	vlt.u32 @!p0 v2, $0x80  }
0x33: {  	s28 =	sand.u32 @!p0 $0x10, s22;
	v2 =	vnsel @!p0 vm3, $0xFFFFFFFE, v2;
	vm3 =	vlt.u32 @!p1 v3, $0x80  }
0x34: {  	[tilespmem:s28+$0x60] =	vst @!p0 v2;
	v2 =	vnsel @!p1 vm3, $0xFFFFFFFE, v3  }
0x35: {  	s28 =	sadd.s32 @!p0 $0xFFFFFFF0, s26;
	[tilespmem:$0x80] =	vst @!p1 v2  }
0x36: {  	v2 =	vld.msk @!p0 [tilespmem:s28+$0x0 ss:$0x1], $0xffff;
	_ =	sdelay $0x4  }
0x37: {  	(xrf1) =	vunique.msk.u32 @!p0 $0xffff, v2;
	_ =	sdelay $0xd  }
0x38: {  	v4 =	vlaneseq.u32 @!p0;
	v3, _, _ =	vpop @!p0 (xrf1)  }
0x39: {  	vm3 =	vlt.u32 @!p0 v2, $0x80;
	vm4 =	veq.s32 @!p0 v3, v4  }
0x3a: {  	vm4 =	vmand @!p0 vm3, vm4  }
0x3b: {  	v2 =	vnsel @!p0 vm4, $0xFFFFFFFF, v2;
	_ =	sdelay $0x1  }
0x3c: {  	s28 =	sadd.s32 @!p0 $0xFFFFFFF0, s22  }
0x3d: {  	s30 =	simm.s32 @!p0 $0x0;
	s28 =	sand.u32 @!p0 $0x10, s28  }
0x3e: {  	s25 =	sshrl.u32 @!p0 s25, $0x3;
	s29 =	sadd.s32 @!p0 $0x130, s28;
	(ifvalue) =	ssetifvalue @!p0 $0xFFFFFFFF;
	vm4 =	vmmov @!p0 $0xffff  }
0x3f: {  	[tilespmem:s29], [sflag:$0x8] =	stream.indirect_vreg.gather @!p0 [hbm4b:s1+s30], $0x1, v2, vm4, $0x4038;
	v2 =	vnsel @!p0 vm3, $0xFFFFFFFE, v2;
	[tilespmem:$0x1B0] =	vst v63  }
0x40: {  	s25 =	sadd.s32 @!p0 s5, s25;
	[tilespmem:s26+$0xFFFFFFF0] =	vst @!p0 v2;
	s26 =	sadd.s32 @!p0 $0x150, s28  }
0x41: {  	[tilespmem:s26], [sflag:$0x8] =	stream.linear.gather @!p0 [hbm:s25], $0x10, $0x38;
	[tilespmem:$0x1B0] =	vst v63  }
0x42: {  	p0 =	slt.u32 s23, $0x2  }
0x43: {  	p1 =	sge.u32 @!p0 s23, s10  }
0x44: {  	p0 =	por p0, p1  }
.Ltmp2:
0x45: {  	_ = 	snop;
	(pc) =	sbr.rel @p0 .LBB2_3-.Ltmp2, $1  }
0x46: {  	_ =	sdelay $0x3  }
0x47: {  	s25 =	smulhi.u32 $0xAAAAAAAB, s17;
	_ =	sdelay $0x1  }
0x48: {  	s25 =	sshrl.u32 s25, $0x1  }
0x49: {  	s25 =	smul.u32 $0xC0, s25;
	_ =	sdelay $0x1  }
0x4a: {  	p0 =	sne.s32 s15, s23;
	s29 =	ssub.s32 $0xFFFFFF80, s25  }
0x4b: {  	_ =	swait.ge [sflag:s7], $0x20;
	s25 =	sshra.s32 @!p0 s29, $0x2  }
0x4c: {  	[sflag:s7] =	ssyncset.done $0x0;
	s25 =	sadd.s32 @!p0 s25, s16  }
0x4d: {  	s26 =	simm.s32 @!p0 $0x1;
	[sflag:s7] =	ssyncadd.s32 $0xFFFFFFE0;
	s25 =	sadd.s32 @!p0 $0xF, s25  }
0x4e: {  	[spmem:s11] =	stream.linear.scatter @!p0 [tilespmem:s25], [sflag:$0x1], $0x1, $0x38;
	[tilespmem:$0x1B0] =	vst v63  }
0x4f: {  	_ =	swait.ge @!p0 [sflag:s26], $0x1  }
0x50: {  	[sflag:s26] =	ssyncset.done @!p0 $0x0  }
0x51: {  	s25 =	sand.u32 $0x10, s22;
	[sflag:s26] =	ssyncadd.s32 @!p0 $0xFFFFFFFF  }
0x52: {  	s30 =	sxor.u32 $0x10, s25;
	v2 =	vld [tilespmem:s25+$0x10]  }
0x53: {  	v3 =	vld [tilespmem:s30+$0x60]  }
0x54: {  	v4 =	vld [tilespmem:$0x80];
	_ =	sdelay $0x2  }
0x55: {  	(v2sf) =	vpush v2, $0x0  }
0x56: {  	(v2sf) =	vpush v3, $0x0  }
0x57: {  	(v2sf) =	vpush v4, $0x0;
	_ =	sdelay $0xc  }
0x58: {  	s31 =	spop (v2sf)  }
0x59: {  	s0 =	spop (v2sf)  }
0x5a: {  	s28 =	spop (v2sf)  }
0x5b: {  	p1 =	seq.s32 s31, s0;
	p2 =	seq.s32 s28, s31  }
0x5c: {  	p2 =	por p1, p2  }
0x5d: {  	v2 =	vpsel p2, $0xFFFFFFFF, v2  }
0x5e: {  	v3 =	vld [tilespmem:s25+$0x150];
	[tilespmem:s25+$0x10] =	vst.msk $0x1, v2  }
0x5f: {  	v2 =	vld [tilespmem:$0x30]  }
0x60: {  	v5 =	vld [tilespmem:s25+$0x40];
	_ =	sdelay $0x3  }
0x61: {  	vm3 =	vmmov vm0;
	vm5 =	vmmov vm1;
	vm4 =	vlt.s32 v2, v3  }
0x62: {  	vm3 =	vmmov @p1 vm1;
	vm11 =	vlt.s32 v2, v5;
	v3 =	vsel vm4, v2, v3  }
0x63: {  	vm5 =	vmmov @p2 vm0;
	v2 =	vsel vm11, v2, v5;
	[tilespmem:s25+$0x150] =	vst.msk vm3, v3  }
0x64: {  	[tilespmem:s25+$0x190] =	vst.msk vm5, v2  }
0x65: {  	v2 =	vld [tilespmem:s25+$0x130];
	_ =	sdelay $0x4  }
0x66: {  	v2 =	vshift.insert v2, v1, s20  }
0x67: {  	s31 =	sor.u32 $0x40, s30  }
0x68: {  	s29 =	sshra.s32 s29, $0x2;
	[tilespmem:s31+$0x0] =	vst.msk $0x1, v2  }
0x69: {  	s0 =	sadd.s32 s29, s16;
	[tilespmem:s25+$0x13F] =	vst.msk $0x1, v0  }
0x6a: {  	v2 =	vld [tilespmem:s0+$0x0];
	_ =	sdelay $0x4  }
0x6b: {  	v2 =	vshift.insert v2, v1, s20;
	_ =	sdelay $0x1  }
0x6c: {  	[tilespmem:s30+$0x10] =	vst.msk $0x1, v2  }
0x6d: {  	v3 =	vld [tilespmem:s0+$0x0]  }
0x6e: {  	v60 =	vld [tilespmem:s25+$0x150];
	_ =	sdelay $0x4  }
0x6f: {  	vm3 =	vne.s32 v3, $0xFFFFFFFF;
	v5 =	vxor.u32 $0x80000000, v60  }
0x70: {  	(xrf0) =	vmin.seg.scan.u32 vm3, v5;
	_ =	sdelay $0x1  }
0x71: {  	v61 =	vperm.xlane v2, v1  }
0x72: {  	v6 =	vld [tilespmem:s25+$0x130]  }
0x73: {  	vm12 =	veq.s32 v3, v61;
	vm3 =	veq.s32 v3, v4  }
0x74: {  	vm13 =	vgt.u32 v3, $0xFFFFFFFD;
	vm4 =	vmor vm12, vm3  }
0x75: {  	vm4 =	vmor vm4, vm13;
	v62, _, _ =	vpop (xrf0)  }
0x76: {  	v3 =	vsel vm4, $0xFFFFFFFF, v3;
	v4 =	vxor.u32 $0x80000000, v62  }
0x77: {  	vm14 =	vlt.s32 v4, v6  }
0x78: {  	v6 =	vsel vm14, v4, v6  }
0x79: {  	v63 =	vld [tilespmem:$0xA0];
	v6 =	vsel vm3, v4, v6  }
0x7a: {  	s30 =	sadd.s32 $0x170, s25;
	v7 =	vld [tilespmem:$0x90];
	[tilespmem:s25+$0x170] =	vst v6;
	(ifvalue) =	ssetifvalue $0xFFFFFFFF  }
0x7b: {  	[hbm4b:s1+s18] =	stream.indirect_vreg.scatter [tilespmem:s30], [sflag:$0x2], $0x1, v3, vm2, $0x4038;
	[tilespmem:$0x1B0] =	vst v63  }
0x7c: {  	v3 =	vld [tilespmem:s25+$0x170];
	_ =	sdelay $0x4  }
0x7d: {  	v3 =	vshift.insert v3, v1, s20  }
0x7e: {  	vm15 =	veq.s32 v63, $0x1  }
0x7f: {  	vm4 =	vmor vm15, vm3;
	v4 =	vsel vm3, v4, v7;
	[tilespmem:s21+$0x0] =	vst.msk $0x1, v3  }
0x80: {  	v3 =	vsel vm4, $0x1, v1;
	[tilespmem:$0x90] =	vst v4  }
0x81: {  	s0 =	sadd.s32 @!p0 $0x17F, s25;
	[tilespmem:$0xA0] =	vst v3  }
0x82: {  	[spmem:s12] =	stream.linear.scatter @!p0 [tilespmem:s0], [sflag:$0x1], $0x1, $0x38;
	[tilespmem:$0x1B0] =	vst v63  }
0x83: {  	v3 =	vmctz.xlane @!p0 vm4;
	_ =	swait.ge @!p0 [sflag:s26], $0x1  }
0x84: {  	(v2sf) =	vpush @!p0 v2, $0x0  }
0x85: {  	(v2sf) =	vpush @!p0 v3, $0x0;
	_ =	sdelay $0xd  }
0x86: {  	s0 =	spop @!p0 (v2sf)  }
0x87: {  	s29 =	spop @!p0 (v2sf)  }
0x88: {  	p1 =	sne.s32 @!p0 s28, s0;
	p2 =	slt.s32 @!p0 s29, $0xF  }
0x89: {  	[sflag:s26] =	ssyncset.done @!p0 $0x0;
	p1 =	por p1, p0;
	p2 =	por !p2, p0  }
0x8a: {  	[sflag:s26] =	ssyncadd.s32 @!p0 $0xFFFFFFFF;
	v2 =	vimm.s32 @!p1 $0xFFFFFFFF;
	s29 =	simm.s32 @p2 $0xF  }
0x8b: {  	[tilespmem:$0x80] =	vst @!p1 v2;
	s0 =	sadd.s32 @!p0 $0x90, s29  }
0x8c: {  	[spmem:s9] =	stream.linear.scatter @!p0 [tilespmem:s0], [sflag:$0x1], $0x1, $0x38;
	[tilespmem:$0x1B0] =	vst v63  }
0x8d: {  	_ =	swait.ge @!p0 [sflag:s26], $0x1  }
0x8e: {  	[sflag:s26] =	ssyncset.done @!p0 $0x0  }
0x8f: {  	s0 =	simm.s32 @!p0 $0x80;
	[sflag:s26] =	ssyncadd.s32 @!p0 $0xFFFFFFFF  }
0x90: {  	[spmem:s13] =	stream.linear.scatter @!p0 [tilespmem:s0], [sflag:$0x1], $0x1, $0x38;
	[tilespmem:$0x1B0] =	vst v63  }
0x91: {  	_ =	swait.ge @!p0 [sflag:s26], $0x1  }
0x92: {  	[sflag:s26] =	ssyncset.done @!p0 $0x0  }
0x93: {  	[sflag:s26] =	ssyncadd.s32 @!p0 $0xFFFFFFFF;
	(ifvalue) =	ssetifvalue $0xFFFFFFFF;
	v2 =	vld [tilespmem:s25+$0x10];
	_ =	sdelay $0x3  }
.Ltmp3:
0x94: {  	_ = 	snop;
	(pc) =	sbr.rel .LBB2_3-.Ltmp3, $3  }
0x95: {  	_ =	sdelay $0x1  }
0x96: {  	s31 =	sadd.s32 $0x190, s25;
	(ifvalue) =	ssetifvalue $0xFFFFFFFF  }
0x97: {  	[hbm4b:s1+s18] =	stream.indirect_vreg.scatter [tilespmem:s31], [sflag:$0x9], $0x1, v2, vm2, $0x4038;
	[tilespmem:$0x1B0] =	vst v63  }
.LBB2_4:
0x98: {  	_ =	sfence.sel $0x180000  }
0x99: {  	s0 =	simm.s32 $0x7;
	[bflag:$0x0] =	sbarrier.arrive $0xFFFF  }
0x9a: {  	s26 =	simm.s32 $0x8;
	[sflag:s0] =	ssyncpa.u1 $0x1  }
0x9b: {  	s28 =	simm.s32 $0x9;
	[sflag:s26] =	ssyncpa.u1 $0x1  }
0x9c: {  	[sflag:s28] =	ssyncpa.u1 $0x1  }
0x9d: {  	_ =	sfence.stream.spmem  }
0x9e: {  	s29 =	simm.s32 $0x3;
	[bflag:$0x0] =	sbarrier.arrive $0xFFFF  }
0x9f: {  	s30 =	simm.s32 $0x4;
	[sflag:s29] =	ssyncpa.u1 $0x1  }
0xa0: {  	s31 =	simm.s32 $0x3C;
	[sflag:s30] =	ssyncpa.u1 $0x1  }
0xa1: {  	p0 =	sne.s32 s2, $0x0;
	[sflag:s31] =	ssyncpa.u1 $0x1  }
0xa2: {  	s0 =	simm.s32 @p0 $0x1;
	_ =	sfence @p0  }
0xa3: {  	[sflag:s0] =	ssyncpa.u1 @p0 $0x1;
	s0 =	simm.s32 @p0 $0x2  }
0xa4: {  	[sflag:s0] =	ssyncpa.u1 @p0 $0x1  }
0xa5: {  	_ =	strace @p0 $0x90000047  }
0xa6: {  	[bflag:$0x2] =	sbarrier.arrive @p0 $0xFFFF  }
0xa7: {  	_ =	shalt @p0  }
.LBB2_5:
0xa8: {  	_ =	sfence.stream.spmem;
	s0 =	simm.s32 $0x5  }
0xa9: {  	s2 =	simm.s32 $0x80;
	s3 =	simm.s32 $0xC0;
	[sflag:s0] =	ssyncpa.u1 $0x0  }
0xaa: {  	[tilespmem:s3], [sflag:$0x5] =	stream.linear.gather [spmem:s2], $0x10, $0x38;
	[tilespmem:$0x1B0] =	vst v63  }
0xab: {  	s30 =	simm.s32 $0xE0;
	s2 =	simm.s32 $0x0  }
0xac: {  	[tilespmem:s30], [sflag:$0x5] =	stream.linear.gather [spmem:s2], $0x10, $0x38;
	[tilespmem:$0x1B0] =	vst v63  }
.Ltmp4:
0xad: {  	_ = 	snop;
	(pc) =	sbr.rel .LBB2_6-.Ltmp4, $4  }
0xae: {  	_ =	swait.ge [sflag:s0], $0x20  }
0xaf: {  	[sflag:s0] =	ssyncset.done $0x0  }
0xb0: {  	s31 =	simm.s32 $0x6;
	[sflag:s0] =	ssyncadd.s32 $0xFFFFFFE0  }
0xb1: {  	s3 =	simm.s32 $0x0;
	[sflag:s31] =	ssyncpa.u1 $0x0  }
.LBB2_11:
0xb2: {  	p0 =	sgt.u32 s4, $0x7F  }
0xb3: {  	s0 =	sshrl.u32 @!p0 s4, $0x3  }
0xb4: {  	s4 =	sand.u32 @!p0 $0x7, s4;
	s5 =	simm.s32 @!p0 $0xB0;
	s0 =	sadd.s32 @!p0 s1, s0  }
0xb5: {  	[tilespmem:s5], [sflag:$0x6] =	stream.linear.gather @!p0 [hbm4b:s0+s4], $0x1, $0x38;
	[tilespmem:$0x1B0] =	vst v63  }
0xb6: {  	s0 =	simm.s32 @!p0 $0x6  }
0xb7: {  	_ =	swait.ge @!p0 [sflag:s0], $0x1  }
0xb8: {  	[sflag:s0] =	ssyncset.done @!p0 $0x0  }
0xb9: {  	[sflag:s0] =	ssyncadd.s32 @!p0 $0xFFFFFFFF  }
0xba: {  	v1 =	vld.msk @!p0 [tilespmem:$0xB0], $0x1  }
0xbb: {  	v2 =	vld.msk @!p0 [tilespmem:s3+$0xE0], $0x1;
	_ =	sdelay $0x4  }
0xbc: {  	vm0 =	vlt.s32 @!p0 v2, v1  }
0xbd: {  	v1 =	vsel @!p0 vm0, v2, v1  }
0xbe: {  	[tilespmem:s3+$0xE0] =	vst.msk @!p0 $0x1, v1  }
0xbf: {  	[tilespmem:s2+$0xC0] =	vst.msk $0x1, v0  }
0xc0: {  	v0 =	vld.msk [tilespmem:s3+$0xE0], $0x1;
	_ =	sdelay $0x4  }
0xc1: {  	[tilespmem:s2+$0xE0] =	vst.msk $0x1, v0;
	s2 =	sadd.s32 $0x1, s2  }
.LBB2_13:
0xc2: {  	s3 =	sadd.s32 $0x1, s3  }
0xc3: {  	p0 =	sne.s32 s3, $0x10  }
.Ltmp5:
0xc4: {  	_ = 	snop;
	(pc) =	sbr.rel @!p0 .LBB2_14-.Ltmp5, $1  }
0xc5: {  	_ =	sdelay $0x3  }
.LBB2_6:
0xc6: {  	v0 =	vld.msk [tilespmem:s3+$0xC0], $0x1;
	_ =	sdelay $0x4  }
0xc7: {  	(v2sf) =	vpush v0, $0x0;
	_ =	sdelay $0xe  }
0xc8: {  	s4 =	spop (v2sf)  }
0xc9: {  	p0 =	seq.s32 s4, $0xFFFFFFFF  }
.Ltmp6:
0xca: {  	_ = 	snop;
	(pc) =	sbr.rel @p0 .LBB2_13-.Ltmp6, $1  }
0xcb: {  	_ =	sdelay $0x3  }
0xcc: {  	p0 =	slt.s32 s2, $0x1  }
.Ltmp7:
0xcd: {  	_ = 	snop;
	(pc) =	sbr.rel @p0 .LBB2_11-.Ltmp7, $1  }
0xce: {  	_ =	sdelay $0x3  }
0xcf: {  	s5 =	simm.s32 $0xC0;
	p0 =	por $0x0, $0x0  }
0xd0: {  	v1 =	vld.msk @!p0 [tilespmem:s5+$0x0], $0x1;
	_ =	sdelay $0x4  }
0xd1: {  	(v2sf) =	vpush @!p0 v1, $0x0;
	_ =	sdelay $0xd  }
0xd2: {  	p2 =	sne.s32 s2, $0x1  }
.Ltmp8:
0xd3: {  	s0 =	spop @!p0 (v2sf);
	(pc) =	sbr.rel @!p2 .LBB2_10-.Ltmp8, $4  }
0xd4: {  	p1 =	seq.s32 @!p0 s4, s0  }
0xd5: {  	s6 =	simm.s32 $0x0;
	p1 =	por !p1, p0  }
0xd6: {  	s0 =	simm.s32 $0xFFFFFFFF;
	s6 =	simm.s32 @p1 $0xFFFFFFFF  }
0xd7: {  	s7 =	simm.s32 $0x1;
	s6 =	smov.u32 @p0 s0  }
.LBB2_9:
0xd8: {  	s0 =	smov.u32 s6;
	p0 =	sne.s32 s6, $0xFFFFFFFF  }
0xd9: {  	s5 =	sadd.s32 $0x1, s5;
	s6 =	smov.u32 s7;
	s7 =	sadd.s32 $0x1, s7  }
0xda: {  	p1 =	sne.s32 s2, s7;
	v1 =	vld.msk @!p0 [tilespmem:s5+$0x0], $0x1;
	_ =	sdelay $0x4  }
0xdb: {  	(v2sf) =	vpush @!p0 v1, $0x0;
	_ =	sdelay $0xe  }
.Ltmp9:
0xdc: {  	s8 =	spop @!p0 (v2sf);
	(pc) =	sbr.rel @p1 .LBB2_9-.Ltmp9, $4  }
0xdd: {  	p2 =	seq.s32 @!p0 s4, s8  }
0xde: {  	p2 =	por !p2, p0  }
0xdf: {  	s6 =	simm.s32 @p2 $0xFFFFFFFF  }
0xe0: {  	s6 =	smov.u32 @p0 s0  }
.LBB2_10:
0xe1: {  	p0 =	sne.s32 s6, $0xFFFFFFFF  }
.Ltmp10:
0xe2: {  	_ = 	snop;
	(pc) =	sbr.rel @!p0 .LBB2_11-.Ltmp10, $1  }
0xe3: {  	_ =	sdelay $0x3  }
0xe4: {  	v0 =	vld.msk [tilespmem:s3+$0xE0], $0x1  }
0xe5: {  	v1 =	vld.msk [tilespmem:s6+$0xE0], $0x1;
	_ =	sdelay $0x2  }
.Ltmp11:
0xe6: {  	_ = 	snop;
	(pc) =	sbr.rel .LBB2_13-.Ltmp11, $4  }
0xe7: {  	_ = 	snop  }
0xe8: {  	vm0 =	vlt.s32 v1, v0  }
0xe9: {  	v0 =	vsel vm0, v1, v0  }
0xea: {  	[tilespmem:s6+$0xE0] =	vst.msk $0x1, v0  }
.LBB2_14:
0xeb: {  	p0 =	slt.s32 s2, $0x1  }
.Ltmp12:
0xec: {  	_ = 	snop;
	(pc) =	sbr.rel @p0 .LBB2_18-.Ltmp12, $3  }
0xed: {  	_ =	sdelay $0x1  }
0xee: {  	s0 =	simm.s32 $0x6  }
0xef: {  	s3 =	simm.s32 $0x0;
	[sflag:s0] =	ssyncpa.u1 $0x1  }
0xf0: {  	s0 =	simm.s32 $0xC0  }
0xf1: {  	v0 =	vld.msk [tilespmem:s0+$0x0], $0x1;
	_ =	sdelay $0x4  }
0xf2: {  	(v2sf) =	vpush v0, $0x0;
	_ =	sdelay $0xd  }
0xf3: {  	s2 =	sadd.s32 $0xFFFFFFFF, s2  }
0xf4: {  	p1 =	sne.s32 s2, $0x0;
	s0 =	spop (v2sf)  }
.Ltmp13:
0xf5: {  	p0 =	sgt.u32 s0, $0x7F;
	(pc) =	sbr.rel @!p1 .LBB2_17-.Ltmp13, $4  }
0xf6: {  	s4 =	simm.s32 $0xE0;
	s5 =	sshrl.u32 @!p0 s0, $0x3  }
0xf7: {  	s6 =	simm.s32 $0x0;
	s0 =	sand.u32 @!p0 $0x7, s0;
	s5 =	sadd.s32 @!p0 s1, s5  }
0xf8: {  	[hbm4b:s5+s0] =	stream.linear.scatter @!p0 [tilespmem:s4], [sflag:$0x5], $0x1, $0x38;
	[tilespmem:$0x1B0] =	vst v63  }
0xf9: {  	s6 =	simm.s32 @!p0 $0x4;
	s5 =	simm.s32 $0xC1  }
.LBB2_16:
0xfa: {  	v0 =	vld.msk [tilespmem:s5+$0x0], $0x1;
	s2 =	sadd.s32 $0xFFFFFFFF, s2;
	s3 =	sadd.s32 s3, s6  }
0xfb: {  	p0 =	sne.s32 s2, $0x0;
	_ =	sdelay $0x3  }
0xfc: {  	(v2sf) =	vpush v0, $0x0;
	_ =	sdelay $0xe  }
.Ltmp14:
0xfd: {  	s0 =	spop (v2sf);
	(pc) =	sbr.rel @p0 .LBB2_16-.Ltmp14, $4  }
0xfe: {  	s6 =	simm.s32 $0x0;
	p1 =	sgt.u32 s0, $0x7F  }
0xff: {  	s4 =	sadd.s32 $0x1, s4;
	s6 =	simm.s32 @!p1 $0x4;
	s7 =	sshrl.u32 @!p1 s0, $0x3  }
0x100: {  	s5 =	sadd.s32 $0x1, s5;
	s0 =	sand.u32 @!p1 $0x7, s0;
	s7 =	sadd.s32 @!p1 s1, s7  }
0x101: {  	[hbm4b:s7+s0] =	stream.linear.scatter @!p1 [tilespmem:s4], [sflag:$0x5], $0x1, $0x38;
	[tilespmem:$0x1B0] =	vst v63  }
.LBB2_17:
0x102: {  	s0 =	sadd.s32 s3, s6  }
0x103: {  	s3 =	sshrl.u32 s0, $0x2  }
.LBB2_18:
0x104: {  	s0 =	simm.s32 $0x5  }
0x105: {  	_ =	swait.ge [sflag:s0], s3  }
0x106: {  	s1 =	ssub.s32 $0x0, s3;
	[sflag:s0] =	ssyncset.done $0x0  }
0x107: {  	[sflag:s0] =	ssyncadd.s32 s1  }
0x108: {  	[sflag:s0] =	ssyncpa.u1 $0x1  }
0x109: {  	s29 =	simm.s32 $0x1;
	_ =	sfence  }
0x10a: {  	s30 =	simm.s32 $0x2;
	[sflag:s29] =	ssyncpa.u1 $0x1  }
0x10b: {  	[sflag:s30] =	ssyncpa.u1 $0x1  }
0x10c: {  	_ =	strace $0x90000047  }
0x10d: {  	[bflag:$0x2] =	sbarrier.arrive $0xFFFF  }
0x10e: {  	s31 =	rddreg [dreg:$0x2]  }
0x10f: {  	s0 =	sadd.s32 $0x100000, s31  }
0x110: {  	[sflag:s0] =	ssyncadd.tile.s32 $0x1;
	_ =	shalt  }
.Lfunc_end2:
_tile_overlayer_lowered:
.L_overlay_start_2:
0x111: {  	(tag) =	ssettag $0x2  }
0x112: {  	s0 =	rddreg [dreg:$0x0];
	s2 =	stileid.u32  }
0x113: {  	s1 =	rddreg [dreg:$0x1];
	p0 =	sne.s32 s2, $0x0  }
0x114: {  	s3 =	rddreg [dreg:$0x2];
	[bflag:$0x3] =	sbarrier.arrive $0xFFFF;
	s2 =	simm.s32 @!p0 $0x1C01  }
0x115: {  	[timem:s3], [sflag:s2] =	dma.local @!p0 [hbm:s0], s1  }
0x116: {  	s0 =	simm.s32 @!p0 $0x1  }
0x117: {  	_ =	swait.ge @!p0 [sflag:s0], s1  }
0x118: {  	s1 =	ssub.s32 @!p0 $0x0, s1;
	[sflag:s0] =	ssyncset.done @!p0 $0x0  }
0x119: {  	[sflag:s0] =	ssyncadd.s32 @!p0 s1  }
0x11a: {  	[bflag:$0x3] =	sbarrier.arrive $0xFFFF  }
0x11b: {  	_ =	shalt  }

// kernel: scatter_offload_async_start
scs
__scs_entry_jumppad:
0x0: {  	(pc) =	sbr.rel $0x88, $3  }
0x1: {  	(tag) =	ssettag $0x0;
	lr =	simm.s32 $0x1  }
0x2: {  	[smem:$0x3F9D] =	sst lr;
	_ =	strace $0xD0000000  }
0x3: {  	_ = 	snop  }
0x4: {  	_ = 	snop  }
0x5: {  	_ = 	snop  }
0x6: {  	_ = 	snop  }
0x7: {  	_ = 	snop  }
__scs_overlays_trampoline_lowered:
0x8: {  	[smem:$0x3FAC] =	sst s0  }
0x9: {  	[smem:$0x3FAD] =	sst s1  }
0xa: {  	[smem:$0x3FAE] =	sst s2  }
0xb: {  	[smem:$0x3FAF] =	sst s3  }
0xc: {  	[smem:$0x3FB0] =	sst s4  }
0xd: {  	[smem:$0x3FB1] =	sst s5  }
0xe: {  	[smem:$0x3FB2] =	sst s6  }
0xf: {  	[smem:$0x3FB3] =	sst s7  }
0x10: {  	[smem:$0x3FB4] =	sst s8  }
0x11: {  	[smem:$0x3FB5] =	sst s9;
	s0 =	simm.s32 @!p0 $0x0  }
0x12: {  	s1 =	sld [smem:$0x3F9B];
	s0 =	simm.s32 @p0 $0x1  }
0x13: {  	[smem:$0x3FB6] =	sst s0;
	s0 =	simm.s32 @!p1 $0x0  }
0x14: {  	s2 =	sld [smem:$0x3F9A];
	s0 =	simm.s32 @p1 $0x1  }
0x15: {  	[smem:$0x3FB7] =	sst s0;
	s0 =	simm.s32 @!p2 $0x0  }
0x16: {  	s3 =	sld [smem:$0x3FDB];
	s0 =	simm.s32 @p2 $0x1  }
0x17: {  	s4 =	simm.s32 $0x1BF5;
	[smem:$0x3FB9] =	sst s0  }
0x18: {  	s0 =	sld [smem:$0x3F9C];
	_ =	swait.ge [sflag:s4], $0x0  }
0x19: {  	s7 =	sld [smem:$0x3F9D]  }
0x1a: {  	s8 =	sadd.s32 $0xFFFFE003, lr  }
0x1b: {  	s9 =	sadd.s32 $0xFFFFFEF7, lr;
	s5 =	simm.s32 $0xFFFFFFFF;
	p2 =	slt.u32 s8, $0xFFFFF086  }
0x1c: {  	p1 =	slt.u32 s9, $0xF7A;
	s5 =	simm.s32 @!p2 $0x0  }
0x1d: {  	s5 =	simm.s32 @p1 $0x1;
	p0 =	seq.s32 s7, s2  }
0x1e: {  	s7 =	smul.u32 @!p0 $0xF7A, s2;
	p2 =	seq.s32 @!p0 s5, $0x0  }
0x1f: {  	s9 =	smul.u32 $0xF7A, s1;
	s8 =	simm.s32 @!p0 $0x1BF5;
	p2 =	por !p2, p0  }
0x20: {  	[sflag:s8] =	ssyncset.s32 @!p0 $0xFFFFF086;
	s6 =	sadd.s32 @!p0 s3, s7;
	s7 =	simm.s32 @!p0 $0x108  }
0x21: {  	s3 =	sadd.s32 s3, s9;
	s6 =	sadd.s32 @!p0 $0x88, s6;
	s7 =	simm.s32 @p2 $0x1082  }
0x22: {  	[simem:s7], [sflag:s8] =	dma.local @!p0 [hbm:s6], $0xF7A  }
0x23: {  	s9 =	sor.u32 $0xD0000000, s2;
	s6 =	simm.s32 $0x108;
	_ =	swait.ge @!p0 [sflag:s8], $0x0  }
0x24: {  	s3 =	sadd.s32 $0x88, s3;
	s6 =	simm.s32 @!p1 $0x1082;
	[sflag:s4] =	ssyncset.s32 $0xFFFFF086  }
0x25: {  	[simem:s6], [sflag:s4] =	dma.local [hbm:s3], $0xF7A  }
0x26: {  	[smem:$0x3F9D] =	sst s1;
	(tag) =	ssettag s2;
	_ =	strace s9  }
0x27: {  	s1 =	sld [smem:$0x3FAD]  }
0x28: {  	s2 =	sld [smem:$0x3FAE]  }
0x29: {  	s4 =	sld [smem:$0x3FB0]  }
0x2a: {  	p0 =	seq.s32 s5, $0x0;
	s5 =	sld [smem:$0x3FB1]  }
0x2b: {  	s6 =	sld [smem:$0x3FB2]  }
0x2c: {  	s7 =	sld [smem:$0x3FB3]  }
0x2d: {  	s3 =	simm.s32 $0x108;
	s8 =	sld [smem:$0x3FB4]  }
0x2e: {  	s3 =	simm.s32 @!p0 $0x1082;
	s9 =	sld [smem:$0x3FB5]  }
0x2f: {  	lr =	sadd.s32 s0, s3;
	s0 =	sld [smem:$0x3FAC]  }
0x30: {  	s3 =	sld [smem:$0x3FAF]  }
0x31: {  	[smem:$0x3FB8] =	sst s10  }
0x32: {  	s10 =	sld [smem:$0x3FB6];
	_ =	sdelay $0x3  }
0x33: {  	p0 =	seq.s32 s10, $0x1;
	s10 =	sld [smem:$0x3FB8];
	_ =	sdelay $0x3  }
0x34: {  	[smem:$0x3FB8] =	sst s10  }
0x35: {  	s10 =	sld [smem:$0x3FB7];
	_ =	sdelay $0x3  }
0x36: {  	p1 =	seq.s32 s10, $0x1;
	s10 =	sld [smem:$0x3FB8];
	_ =	sdelay $0x3  }
0x37: {  	[smem:$0x3FB8] =	sst s10  }
0x38: {  	s10 =	sld [smem:$0x3FB9]  }
0x39: {  	_ = 	snop;
	(pc) =	sbr.ind lr, $3  }
0x3a: {  	_ = 	snop  }
0x3b: {  	_ = 	snop  }
0x3c: {  	p2 =	seq.s32 s10, $0x1;
	s10 =	sld [smem:$0x3FB8]  }
0x3d: {  	_ =	shalt  }
0x3e: {  	_ =	shalt  }
0x3f: {  	_ =	shalt  }
0x40: {  	_ =	shalt  }
0x41: {  	_ =	shalt  }
0x42: {  	_ =	shalt  }
0x43: {  	_ =	shalt  }
0x44: {  	_ =	shalt  }
0x45: {  	_ =	shalt  }
0x46: {  	_ =	shalt  }
0x47: {  	_ =	shalt  }
0x48: {  	_ =	shalt  }
0x49: {  	_ =	shalt  }
0x4a: {  	_ =	shalt  }
0x4b: {  	_ =	shalt  }
0x4c: {  	_ =	shalt  }
0x4d: {  	_ =	shalt  }
0x4e: {  	_ =	shalt  }
0x4f: {  	_ =	shalt  }
0x50: {  	_ =	shalt  }
0x51: {  	_ =	shalt  }
0x52: {  	_ =	shalt  }
0x53: {  	_ =	shalt  }
0x54: {  	_ =	shalt  }
0x55: {  	_ =	shalt  }
0x56: {  	_ =	shalt  }
0x57: {  	_ =	shalt  }
0x58: {  	_ =	shalt  }
0x59: {  	_ =	shalt  }
0x5a: {  	_ =	shalt  }
0x5b: {  	_ =	shalt  }
0x5c: {  	_ =	shalt  }
0x5d: {  	_ =	shalt  }
0x5e: {  	_ =	shalt  }
0x5f: {  	_ =	shalt  }
0x60: {  	_ =	shalt  }
0x61: {  	_ =	shalt  }
0x62: {  	_ =	shalt  }
0x63: {  	_ =	shalt  }
0x64: {  	_ =	shalt  }
0x65: {  	_ =	shalt  }
0x66: {  	_ =	shalt  }
0x67: {  	_ =	shalt  }
0x68: {  	_ =	shalt  }
0x69: {  	_ =	shalt  }
0x6a: {  	_ =	shalt  }
0x6b: {  	_ =	shalt  }
0x6c: {  	_ =	shalt  }
0x6d: {  	_ =	shalt  }
0x6e: {  	_ =	shalt  }
0x6f: {  	_ =	shalt  }
0x70: {  	_ =	shalt  }
0x71: {  	_ =	shalt  }
0x72: {  	_ =	shalt  }
0x73: {  	_ =	shalt  }
0x74: {  	_ =	shalt  }
0x75: {  	_ =	shalt  }
0x76: {  	_ =	shalt  }
0x77: {  	_ =	shalt  }
0x78: {  	_ =	shalt  }
0x79: {  	_ =	shalt  }
0x7a: {  	_ =	shalt  }
0x7b: {  	_ =	shalt  }
0x7c: {  	_ =	shalt  }
0x7d: {  	_ =	shalt  }
0x7e: {  	_ =	shalt  }
0x7f: {  	_ =	shalt  }
0x80: {  	_ =	shalt  }
0x81: {  	_ =	shalt  }
0x82: {  	_ =	shalt  }
0x83: {  	_ =	shalt  }
0x84: {  	_ =	shalt  }
0x85: {  	_ =	shalt  }
0x86: {  	_ =	shalt  }
0x87: {  	_ =	shalt  }
.Lfunc_end0:
.L_simem_size_0:
called_computation_lowered:
.L_overlay_start_0:
0x88: {  	s0 =	sld [smem:$0x3FD9]  }
0x89: {  	s1 =	sld [smem:$0x3FFE];
	_ =	sdelay $0x3  }
0x8a: {  	s0 =	sadd.s32 s1, s0  }
0x8b: {  	[smem:$0x3FC4] =	sst s0  }
0x8c: {  	_ = 	snop  }
0x8d: {  	(tm) =	ssettm $0x1  }
0x8e: {  	s15 =	sld [smem:$0x3FFB];
	_ =	sdelay $0x3  }
0x8f: {  	_ =	strace s15  }
0x90: {  	s0 =	sld [smem:$0x3FFC];
	_ =	sdelay $0x3  }
0x91: {  	_ =	strace s0  }
0x92: {  	s0 =	sld [smem:$0x3FFD];
	_ =	sdelay $0x3  }
0x93: {  	_ =	strace s0  }
0x94: {  	_ =	strace $0x8FFFFFFF  }
0x95: {  	s16 =	sld [smem:$0x3FDB];
	_ =	sdelay $0x1  }
0x96: {  	s17 =	simm.s32 $_scs_section_size  }
0x97: {  	s2 =	simm.s32 $_size__tile_overlayer_lowered;
	s3 =	simm.s32 $_tile_overlayer_lowered  }
0x98: {  	s20 =	simm.s32 $0x1BFF;
	s19 =	sshll.u32 s3, $0x1;
	s0 =	sadd.s32 s17, s16  }
0x99: {  	s4 =	simm.s32 $0x0;
	s18 =	sshll.u32 s2, $0x1;
	s2 =	sadd.s32 s19, s0  }
0x9a: {  	[timem:s4], [sflag:s20] =	dma.local [hbm:s2], s18  }
0x9b: {  	_ =	swait.ge [sflag:s20], s18  }
0x9c: {  	s1 =	ssub.s32 $0x0, s18;
	[sflag:s20] =	ssyncset.done $0x0  }
0x9d: {  	[sflag:s20] =	ssyncadd.s32 s1;
	_ =	sdelay $0x1  }
0x9e: {  	s21 =	simm.s32 $0x1B8B  }
0x9f: {  	_ =	swait.ge [sflag:s21], $0x1  }
0xa0: {  	[sflag:s21] =	ssyncset.done $0x0  }
0xa1: {  	s23 =	simm.s32 $0x1B8E;
	s22 =	sld [smem:$0x3FFE];
	[sflag:s21] =	ssyncadd.s32 $0xFFFFFFFF  }
0xa2: {  	s24 =	simm.s32 $execute0_lowered;
	[smem:$0x3FD2] =	sst s23  }
0xa3: {  	s2 =	sshll.u32 s24, $0x1;
	_ =	strace $0x80000049;
	[dreg:$0x1] =	wrdreg $0xFFFFFFFF  }
0xa4: {  	s25 =	simm.s32 $_size_execute0_lowered;
	s0 =	sadd.s32 s0, s2;
	[dreg:$0x0] =	wrdreg $0x0  }
0xa5: {  	s2 =	sshll.u32 s25, $0x1;
	[dreg:$0x2] =	wrdreg s0  }
0xa6: {  	[dreg:$0x3] =	wrdreg s2  }
0xa7: {  	[dreg:$0x4] =	wrdreg $0xC0  }
0xa8: {  	_ =	task [dreg:s4], $0x5FFFF  }
0xa9: {  	[dreg:$0x1] =	wrdreg $0xFFFFFFFF  }
0xaa: {  	[dreg:$0x0] =	wrdreg $0x60  }
0xab: {  	[dreg:$0x2] =	wrdreg s22  }
0xac: {  	[dreg:$0x3] =	wrdreg $0x9  }
0xad: {  	_ =	task.clear_ibuf [dreg:s4], $0x4FFFF;
	_ =	strace $0x90000049  }
0xae: {  	s26 =	simm.s32 $0x9;
	_ =	strace $0x8000004B  }
0xaf: {  	_ =	swait.ge [sflag:s26], $0x1  }
0xb0: {  	[sflag:s26] =	ssyncadd.s32 $0xFFFFFFFF  }
0xb1: {  	_ =	strace $0x9000004B  }
0xb2: {  	_ =	sfence  }
0xb3: {  	s28 =	sld [smem:$0x0];
	_ =	sdelay $0x1  }
0xb4: {  	s29 =	srdreg.scid  }
0xb5: {  	s30 =	sshll.u32 s29, $0xD;
	s31 =	sshrl.u32 s29, $0x2  }
0xb6: {  	s1 =	sand.u32 $0x1, s29;
	s2 =	sand.u32 $0x4000, s30;
	s0 =	sadd.s32 s31, s28  }
0xb7: {  	s1 =	sor.u32 s2, s1;
	s0 =	sshll.u32 s0, $0x11  }
0xb8: {  	s0 =	sor.u32 s0, s1  }
0xb9: {  	s0 =	sadd.s32 $0x8F2B, s0  }
0xba: {  	[sflag:s0] =	ssyncadd.remote.s32 $0x1  }
0xbb: {  	_ =	sfence.sel $0xFFFF  }
0xbc: {  	[dreg:$0x0] =	wrdreg $0xFFFFFFFF;
	(pc) =	sbr.abs _section_cstart, $3  }
0xbd: {  	[dreg:$0x1] =	wrdreg $0xFFFFFFFF  }
0xbe: {  	_ =	task.clear_ibuf [dreg:s4], $0x2FFFF;
	_ =	strace $0x9FFFFFFF  }
0xbf: {  	(tm) =	ssettm $0x7FFFFFFF  }
tec
execute0_lowered:
.L_overlay_start_1:
0x0: {  	(tag) =	ssettag $0x1  }
0x1: {  	s4 =	rddreg [dreg:$0x0]  }
0x2: {  	s0 =	rddreg [dreg:$0x1];
	_ =	strace $0x8000004A;
	s3 =	stileid.u32  }
0x3: {  	s5 =	simm.s32 $0x3E;
	s1 =	sadd.s32 $0x600, s4;
	p0 =	sne.s32 s3, $0x0  }
0x4: {  	[sflag:s5] =	ssyncpa.u1 $0x0;
	s31 =	smin.u32 s3, $0x8;
	p1 =	slt.u32 s3, $0x8  }
0x5: {  	s3 =	simm.s32 $0x10;
	s6 =	simm.s32 @!p0 $0x1C3E;
	s2 =	simm.s32 @!p0 $0x0  }
0x6: {  	[spmem:s2], [sflag:s6] =	dma.local @!p0 [hbm:s1], $0x10  }
0x7: {  	s3 =	simm.s32 @!p1 $0x0;
	s6 =	sshll.u32 s31, $0x4  }
0x8: {  	s3 =	sadd.s32 s3, s6  }
0x9: {  	s9 =	smin.u32 s3, $0x80  }
0xa: {  	s8 =	ssub.s32 s9, s6  }
0xb: {  	p1 =	sgt.s32 s8, $0x0  }
0xc: {  	s7 =	simm.s32 @!p0 $0x3E;
	s8 =	simm.s32 @!p1 $0x0  }
0xd: {  	_ =	swait.ge @!p0 [sflag:s7], $0x10;
	s10 =	sshrl.u32 s8, $0x4  }
0xe: {  	[sflag:s7] =	ssyncset.done @!p0 $0x0;
	s11 =	sadd.s32 $0x1, s10  }
0xf: {  	[sflag:s7] =	ssyncadd.s32 @!p0 $0xFFFFFFF0;
	p1 =	sne.s32 s11, $0x1  }
.Ltmp0:
0x10: {  	p3 =	por $0x0, $0x0;
	[bflag:$0x0] =	sbarrier.arrive $0xFFFF;
	(pc) =	sbr.rel @!p1 .LBB2_1-.Ltmp0, $4  }
0x11: {  	s3 =	simm.s32 $0x1;
	s7 =	sadd.s32 $0x800, s4;
	[sflag:s5] =	ssyncpa.u1 $0x1  }
0x12: {  	s5 =	simm.s32 $0x2;
	s8 =	simm.s32 $0x0;
	p2 =	sle.u32 s10, $0x0  }
0x13: {  	[sflag:s3] =	ssyncpa.u1 $0x0;
	(ifvalue) =	ssetifvalue $0x80;
	s12 =	sxor.u32 @!p2 $0xFFFFFFFF, s8  }
0x14: {  	[sflag:s5] =	ssyncpa.u1 $0x0;
	s15 =	sshrl.u32 @!p2 s6, $0x3;
	s16 =	sand.u32 @!p2 $0x10, s12  }
0x15: {  	s12 =	sadd.s32 @!p2 s4, s15  }
0x16: {  	s13 =	sor.u32 @!p2 $0x8, s16;
	s14 =	sand.u32 @!p2 $0x7, s6;
	p1 =	por $0x1, $0x1  }
0x17: {  	[tilespmem:s13], [sflag:$0x2] =	stream.linear.gather @!p2 [hbm4b:s12+s14], $0x10, $0x38;
	[tilespmem:$0x48] =	vst v63  }
0x18: {  	s15 =	sadd.s32 @!p2 s7, s15;
	s12 =	sor.u32 @!p2 $0x28, s16;
	s13 =	simm.s32 @!p1 $0x2  }
0x19: {  	[tilespmem:s12], [sflag:$0x2] =	stream.linear.gather @!p2 [hbm4b:s15+s14], $0x10, $0x38;
	[tilespmem:$0x48] =	vst v63  }
0x1a: {  	_ =	swait.ge @!p1 [sflag:s13], $0x20  }
0x1b: {  	s8 =	sand.u32 @!p1 $0x10, s8;
	[sflag:s13] =	ssyncset.done @!p1 $0x0  }
0x1c: {  	s12 =	sor.u32 @!p1 $0x8, s8;
	[sflag:s13] =	ssyncadd.s32 @!p1 $0xFFFFFFE0  }
0x1d: {  	v0 =	vld.msk @!p1 [tilespmem:s12+$0x0 ss:$0x1], $0xffff;
	_ =	sdelay $0x3  }
0x1e: {  	p4 =	sne.s32 s11, $0x2  }
.Ltmp1:
0x1f: {  	s18 =	simm.s32 @!p1 $0x0;
	s17 =	simm.s32 @!p1 $0x1;
	v0 =	vmin.u32 @!p1 v0, $0x80;
	(pc) =	sbr.rel @!p4 .LBB2_3-.Ltmp1, $4  }
0x20: {  	s15 =	sadd.s32 $0x10, s6;
	p2 =	sle.u32 s10, $0x1;
	s14 =	smov.u32 s6  }
0x21: {  	p3 =	slt.s32 s15, s9;
	s13 =	sor.u32 @!p1 $0x28, s8;
	s8 =	simm.s32 $0x10  }
0x22: {  	s14 =	smov.u32 @p3 s15;
	p3 =	por $0x1, $0x1;
	s16 =	sxor.u32 @!p2 $0xFFFFFFFF, s8  }
0x23: {  	vm0 =	vmmov @!p1 $0xffff;
	s15 =	sshrl.u32 @!p2 s14, $0x3;
	s12 =	simm.s32 $0x2;
	s16 =	sand.u32 @!p2 $0x10, s16  }
.LBB2_4:
0x24: {  	[spmem:s18] =	stream.indirect_vreg.scatter.add.s32 @!p1 [tilespmem:s13], [sflag:$0x1], $0x1, v0, vm0, $0x4038;
	[tilespmem:$0x48] =	vst v63  }
0x25: {  	s13 =	sadd.s32 @!p2 s4, s15;
	s18 =	sor.u32 @!p2 $0x8, s16;
	_ =	swait.ge @!p1 [sflag:s17], $0x10  }
0x26: {  	s19 =	smov.u32 s12;
	s12 =	sadd.s32 $0x1, s12;
	[sflag:s17] =	ssyncset.done @!p1 $0x0  }
0x27: {  	s20 =	sand.u32 @!p2 $0x7, s14;
	[sflag:s17] =	ssyncadd.s32 @!p1 $0xFFFFFFF0;
	p1 =	seq.s32 s8, $0x0  }
0x28: {  	[tilespmem:s18], [sflag:$0x2] =	stream.linear.gather @!p2 [hbm4b:s13+s20], $0x10, $0x38;
	[tilespmem:$0x48] =	vst v63  }
0x29: {  	s16 =	sor.u32 @!p2 $0x28, s16;
	s17 =	simm.s32 @!p1 $0x2;
	s13 =	sand.u32 @!p1 $0x10, s8  }
0x2a: {  	s15 =	sadd.s32 @!p2 s7, s15;
	s18 =	sor.u32 @!p1 $0x8, s13;
	s13 =	sor.u32 @!p1 $0x28, s13  }
0x2b: {  	[tilespmem:s16], [sflag:$0x2] =	stream.linear.gather @!p2 [hbm4b:s15+s20], $0x10, $0x38;
	[tilespmem:$0x48] =	vst v63  }
0x2c: {  	p4 =	sne.s32 s11, s12;
	_ =	swait.ge @!p1 [sflag:s17], $0x20  }
0x2d: {  	[sflag:s17] =	ssyncset.done @!p1 $0x0  }
0x2e: {  	[sflag:s17] =	ssyncadd.s32 @!p1 $0xFFFFFFE0  }
0x2f: {  	v0 =	vld.msk @!p1 [tilespmem:s18+$0x0 ss:$0x1], $0xffff;
	_ =	sdelay $0x5  }
.Ltmp2:
0x30: {  	s8 =	sadd.s32 $0x10, s8;
	v0 =	vmin.u32 @!p1 v0, $0x80;
	(pc) =	sbr.rel @p4 .LBB2_4-.Ltmp2, $4  }
0x31: {  	vm0 =	vmmov @!p1 $0xffff;
	s15 =	sadd.s32 $0x10, s14;
	p2 =	sge.u32 s19, s10;
	s18 =	simm.s32 @!p1 $0x0  }
0x32: {  	s14 =	smov.u32 s6;
	p5 =	slt.s32 s15, s9;
	s17 =	simm.s32 @!p1 $0x1  }
0x33: {  	s16 =	sxor.u32 @!p2 $0xFFFFFFFF, s8;
	s14 =	smov.u32 @p5 s15  }
0x34: {  	s16 =	sand.u32 @!p2 $0x10, s16;
	s15 =	sshrl.u32 @!p2 s14, $0x3  }
0x35: {  	s6 =	smov.u32 s14  }
.LBB2_6:
0x36: {  	_ =	sdelay $0x2  }
0x37: {  	p3 =	por p1, !p3  }
0x38: {  	[spmem:s18] =	stream.indirect_vreg.scatter.add.s32 @!p3 [tilespmem:s13], [sflag:$0x1], $0x1, v0, vm0, $0x4038;
	[tilespmem:$0x48] =	vst v63  }
0x39: {  	_ =	swait.ge @!p3 [sflag:s17], $0x10  }
0x3a: {  	s4 =	sadd.s32 @!p2 s4, s15;
	s9 =	sor.u32 @!p2 $0x8, s16;
	[sflag:s17] =	ssyncset.done @!p3 $0x0  }
0x3b: {  	s6 =	sand.u32 @!p2 $0x7, s6;
	p1 =	seq.s32 s8, $0x0;
	[sflag:s17] =	ssyncadd.s32 @!p3 $0xFFFFFFF0  }
0x3c: {  	[tilespmem:s9], [sflag:$0x2] =	stream.linear.gather @!p2 [hbm4b:s4+s6], $0x10, $0x38;
	[tilespmem:$0x48] =	vst v63  }
0x3d: {  	s7 =	sadd.s32 @!p2 s7, s15;
	s4 =	sor.u32 @!p2 $0x28, s16;
	s9 =	simm.s32 @!p1 $0x2  }
0x3e: {  	[tilespmem:s4], [sflag:$0x2] =	stream.linear.gather @!p2 [hbm4b:s7+s6], $0x10, $0x38;
	[tilespmem:$0x48] =	vst v63  }
0x3f: {  	_ =	swait.ge @!p1 [sflag:s9], $0x20  }
0x40: {  	s4 =	sand.u32 @!p1 $0x10, s8;
	[sflag:s9] =	ssyncset.done @!p1 $0x0  }
0x41: {  	s6 =	sor.u32 @!p1 $0x8, s4;
	[sflag:s9] =	ssyncadd.s32 @!p1 $0xFFFFFFE0  }
0x42: {  	v0 =	vld.msk @!p1 [tilespmem:s6+$0x0 ss:$0x1], $0xffff;
	_ =	sdelay $0x4  }
0x43: {  	v0 =	vmin.u32 @!p1 v0, $0x80;
	_ =	sdelay $0x3  }
0x44: {  	vm0 =	vmmov @!p1 $0xffff;
	s7 =	simm.s32 @!p1 $0x1;
	s4 =	sor.u32 @!p1 $0x28, s4;
	s6 =	simm.s32 @!p1 $0x0  }
0x45: {  	[spmem:s6] =	stream.indirect_vreg.scatter.add.s32 @!p1 [tilespmem:s4], [sflag:$0x1], $0x1, v0, vm0, $0x4038;
	[tilespmem:$0x48] =	vst v63  }
0x46: {  	_ =	swait.ge @!p1 [sflag:s7], $0x10  }
0x47: {  	[sflag:s7] =	ssyncset.done @!p1 $0x0  }
0x48: {  	[sflag:s7] =	ssyncadd.s32 @!p1 $0xFFFFFFF0  }
0x49: {  	_ =	sfence.sel $0x180000  }
0x4a: {  	[bflag:$0x0] =	sbarrier.arrive $0xFFFF  }
0x4b: {  	[sflag:s5] =	ssyncpa.u1 $0x1  }
0x4c: {  	[sflag:s3] =	ssyncpa.u1 $0x1  }
0x4d: {  	_ =	sfence.stream.spmem  }
0x4e: {  	s31 =	simm.s32 $0x3D;
	[bflag:$0x0] =	sbarrier.arrive $0xFFFF  }
0x4f: {  	s3 =	simm.s32 @p0 $0x3D;
	[sflag:s31] =	ssyncpa.u1 $0x0  }
0x50: {  	[sflag:s3] =	ssyncpa.u1 @p0 $0x1  }
0x51: {  	[bflag:$0x0] =	sbarrier.arrive @p0 $0xFFFF  }
0x52: {  	_ =	strace @p0 $0x9000004A  }
0x53: {  	s3 =	simm.s32 @!p0 $0x1C3D;
	[bflag:$0x2] =	sbarrier.arrive @p0 $0xFFFF  }
0x54: {  	[hbm:s1], [sflag:s3] =	dma.local @!p0 [spmem:s2], $0x10  }
0x55: {  	s1 =	simm.s32 @!p0 $0x3D  }
0x56: {  	_ =	swait.ge @!p0 [sflag:s1], $0x10  }
0x57: {  	[sflag:s1] =	ssyncset.done @!p0 $0x0  }
0x58: {  	[sflag:s1] =	ssyncadd.s32 @!p0 $0xFFFFFFF0  }
0x59: {  	[sflag:s1] =	ssyncpa.u1 @!p0 $0x1  }
0x5a: {  	[bflag:$0x0] =	sbarrier.arrive @!p0 $0xFFFF  }
0x5b: {  	_ =	strace @!p0 $0x9000004A  }
0x5c: {  	s0 =	sadd.s32 @!p0 $0x100000, s0;
	[bflag:$0x2] =	sbarrier.arrive @!p0 $0xFFFF  }
0x5d: {  	[sflag:s0] =	ssyncadd.tile.s32 @!p0 $0x1;
	_ =	shalt  }
.LBB2_1:
.Ltmp3:
0x5e: {  	(pc) =	sbr.rel .LBB2_6-.Ltmp3, $2  }
0x5f: {  	_ =	sdelay $0x2  }
0x60: {  	_ = 	snop  }
.LBB2_3:
.Ltmp4:
0x61: {  	(pc) =	sbr.rel .LBB2_6-.Ltmp4, $2  }
0x62: {  	_ =	sdelay $0x2  }
0x63: {  	s6 =	smov.u32 s14  }
.Lfunc_end2:
_tile_overlayer_lowered:
.L_overlay_start_2:
0x64: {  	(tag) =	ssettag $0x2  }
0x65: {  	s0 =	rddreg [dreg:$0x0];
	s2 =	stileid.u32  }
0x66: {  	s1 =	rddreg [dreg:$0x1];
	p0 =	sne.s32 s2, $0x0  }
0x67: {  	s3 =	rddreg [dreg:$0x2];
	[bflag:$0x3] =	sbarrier.arrive $0xFFFF;
	s2 =	simm.s32 @!p0 $0x1C01  }
0x68: {  	[timem:s3], [sflag:s2] =	dma.local @!p0 [hbm:s0], s1  }
0x69: {  	s0 =	simm.s32 @!p0 $0x1  }
0x6a: {  	_ =	swait.ge @!p0 [sflag:s0], s1  }
0x6b: {  	s1 =	ssub.s32 @!p0 $0x0, s1;
	[sflag:s0] =	ssyncset.done @!p0 $0x0  }
0x6c: {  	[sflag:s0] =	ssyncadd.s32 @!p0 s1  }
0x6d: {  	[bflag:$0x3] =	sbarrier.arrive $0xFFFF  }
0x6e: {  	_ =	shalt  }

</sc_bundles>
